<compile_context>
chip_gen: v7x
topology: tpu7x:2x2x1
jax: 0.10.2.dev20260603
libtpu: 0.0.44.dev20260713+nightly
codegen_flags: <defaults>
</compile_context>

<pallas_src>
import functools

import jax
import jax.numpy as jnp
from jax import lax
from jax.experimental import pallas as pl
from jax.experimental.pallas import tpu as pltpu
from jax.experimental.pallas import tpu_sc as plsc

N = 320000
D = 128
B = 1024
NC = 2
NS = 16
NW = NC * NS

TBLK = 16
TBPW = 480
M = TBLK * TBPW * NW
NBLK = M // TBLK
SCH_C = 120
CPB = TBPW // SCH_C

SRPW = (N - M) // NW
CHUNK = 40
CPW = SRPW // CHUNK
NBUF = 8
SPB = -(-CPW // NBUF)
BPS = B // NS

ACC_C = 1152
ZPT_C = ACC_C // NS


def _tc_block_sums(rows_tc):
  def body(x_ref, o_ref):
    o_ref[...] = jnp.sum(x_ref[...].reshape(800, TBLK, D), axis=1)

  return pl.pallas_call(
      body,
      grid=(16,),
      in_specs=[pl.BlockSpec((12800, D), lambda i: (i, 0))],
      out_specs=pl.BlockSpec((800, D), lambda i: (i, 0)),
      out_shape=jax.ShapeDtypeStruct((NBLK, D), jnp.float32),
  )(rows_tc)


def _sc_rowwise(rows_hbm_arr, sc_ids3, tc_ids3):
  mesh = plsc.VectorSubcoreMesh(core_axis_name="c", subcore_axis_name="s")

  scratch = [pltpu.VMEM((CPW, CHUNK), jnp.int32)]
  scratch += [pltpu.VMEM((CHUNK, D), jnp.float32) for _ in range(NBUF)]
  scratch += [
      pltpu.VMEM((TBPW, TBLK), jnp.int32),
      pltpu.VMEM((TBLK, D), jnp.float32),
      pltpu.VMEM((BPS, D), jnp.float32),
      pltpu.VMEM_SHARED((B, D), jnp.float32),
  ]
  scratch += [pltpu.SemaphoreType.DMA for _ in range(2 * NBUF)]

  @functools.partial(
      pl.kernel,
      mesh=mesh,
      out_type=jax.ShapeDtypeStruct((NC, B, D), jnp.float32),
      scratch_types=scratch,
  )
  def k(rows_hbm, ids_hbm, tcids_hbm, out_hbm, ids_v, *rest):
    bufs = rest[:NBUF]
    tcids_v, mbuf, tmp_v, acc_sh = rest[NBUF:NBUF + 4]
    gsems = rest[NBUF + 4:2 * NBUF + 4]
    ssems = rest[2 * NBUF + 4:]
    cid = lax.axis_index("c")
    sid = lax.axis_index("s")
    wid = cid * NS + sid

    def zrow(r, carry):
      for c in range(D // 16):
        tmp_v[r, pl.ds(c * 16, 16)] = jnp.zeros((16,), jnp.float32)
      return carry
    lax.fori_loop(0, BPS, zrow, 0)
    pltpu.sync_copy(tmp_v, acc_sh.at[pl.ds(sid * BPS, BPS)])

    pltpu.sync_copy(ids_hbm.at[wid], ids_v)
    pltpu.sync_copy(tcids_hbm.at[wid], tcids_v)
    plsc.subcore_barrier()

    base = M + wid * SRPW

    def g_start(ci, b):
      pltpu.make_async_copy(rows_hbm.at[pl.ds(base + ci * CHUNK, CHUNK)],
                            bufs[b], gsems[b]).start()

    def g_wait(b):
      pltpu.make_async_copy(rows_hbm.at[pl.ds(base, CHUNK)],
                            bufs[b], gsems[b]).wait()

    for b in range(NBUF):
      g_start(b, b)

    def outer(i, carry):
      c0 = i * NBUF
      for b in range(NBUF):
        @pl.when(c0 + b < CPW)
        def _():
          g_wait(b)
          pltpu.async_copy(bufs[b], acc_sh.at[ids_v.at[c0 + b]], ssems[b],
                           add=True)
      for b in range(NBUF):
        @pl.when(c0 + b < CPW)
        def _():
          pltpu.make_async_copy(bufs[b], acc_sh.at[ids_v.at[c0 + b]],
                                ssems[b]).wait()
        nxt = c0 + NBUF + b

        @pl.when(nxt < CPW)
        def _():
          g_start(nxt, b)
      return carry

    lax.fori_loop(0, SPB, outer, 0)

    tbase = wid * TBPW

    def mixed(j, carry):
      idrow = tcids_v[j, :]

      @pl.when(idrow[0] != idrow[TBLK - 1])
      def _():
        pltpu.sync_copy(rows_hbm.at[pl.ds((tbase + j) * TBLK, TBLK)], mbuf)
        pltpu.sync_copy(mbuf, acc_sh.at[tcids_v.at[j]], add=True)
      return carry

    lax.fori_loop(0, TBPW, mixed, 0)

    plsc.subcore_barrier()
    pltpu.sync_copy(acc_sh.at[pl.ds(sid * BPS, BPS)], tmp_v)
    pltpu.sync_copy(tmp_v, out_hbm.at[cid, pl.ds(sid * BPS, BPS)])

  return k(rows_hbm_arr, sc_ids3, tc_ids3)


def _sc_bsum_scatter(bsums, blk_idx3):
  mesh = plsc.VectorSubcoreMesh(core_axis_name="c", subcore_axis_name="s")

  scratch = [
      pltpu.VMEM((CPB, SCH_C), jnp.int32),
      pltpu.VMEM((2 * SCH_C, D), jnp.float32),
      pltpu.VMEM((ZPT_C, D), jnp.float32),
      pltpu.VMEM_SHARED((ACC_C, D), jnp.float32),
      pltpu.SemaphoreType.DMA,
  ]

  @functools.partial(
      pl.kernel,
      mesh=mesh,
      out_type=jax.ShapeDtypeStruct((NC, B, D), jnp.float32),
      scratch_types=scratch,
  )
  def k(bs_hbm, idx_hbm, out_hbm, idx_v, bs_v, tmp_v, acc_sh, sem):
    cid = lax.axis_index("c")
    sid = lax.axis_index("s")
    wid = cid * NS + sid

    def zrow(r, carry):
      for c in range(D // 16):
        tmp_v[r, pl.ds(c * 16, 16)] = jnp.zeros((16,), jnp.float32)
      return carry
    lax.fori_loop(0, ZPT_C, zrow, 0)
    pltpu.sync_copy(tmp_v, acc_sh.at[pl.ds(sid * ZPT_C, ZPT_C)])

    pltpu.sync_copy(idx_hbm.at[wid], idx_v)
    plsc.subcore_barrier()

    for r in range(CPB // 2):
      pltpu.sync_copy(
          bs_hbm.at[pl.ds(wid * TBPW + r * 2 * SCH_C, 2 * SCH_C)], bs_v)
      scatters = []
      for p in range(2):
        scatters.append(
            pltpu.async_copy(bs_v.at[pl.ds(p * SCH_C, SCH_C)],
                             acc_sh.at[idx_v.at[r * 2 + p]], sem, add=True))
      for s in scatters:
        s.wait()

    plsc.subcore_barrier()
    pltpu.sync_copy(acc_sh.at[pl.ds(sid * BPS, BPS)],
                    tmp_v.at[pl.ds(0, BPS)])
    pltpu.sync_copy(tmp_v.at[pl.ds(0, BPS)],
                    out_hbm.at[cid, pl.ds(sid * BPS, BPS)])

  return k(bsums, blk_idx3)


def _combine4(b_parts, c_parts):
  def add_body(a_ref, b_ref, c_ref, d_ref, o_ref):
    o_ref[...] = a_ref[...] + b_ref[...] + c_ref[...] + d_ref[...]

  return pl.pallas_call(
      add_body,
      out_shape=jax.ShapeDtypeStruct((B, D), jnp.float32),
  )(b_parts[0], b_parts[1], c_parts[0], c_parts[1])


def kernel(outputs, atom_split):
  ids = atom_split.astype(jnp.int32)
  sc_ids3 = ids[M:].reshape(NW, CPW, CHUNK)
  tc_ids3 = ids[:M].reshape(NW, TBPW, TBLK)
  first = tc_ids3[:, :, 0]
  last = tc_ids3[:, :, TBLK - 1]
  blk_idx3 = jnp.where(first == last, first, B).reshape(NW, CPB, SCH_C)

  bsums = _tc_block_sums(outputs)
  b_parts = _sc_rowwise(outputs, sc_ids3, tc_ids3)
  c_parts = _sc_bsum_scatter(bsums, blk_idx3)
  return _combine4(b_parts, c_parts)

# --- scband reference (transcript-rebuilt; emitter-appended) ---
"""Pipeline reference for scband-weave-gather-37280316129530 (READ-ONLY COPY).

The authoritative reference and input builder live on the scoring server;
editing this copy changes nothing except your own understanding.
"""

import jax, jax.numpy as jnp
import numpy as np

N = 320000
D = 128
BATCH_SIZE = 1024

def setup_inputs(seed: int = 0) -> dict:
    key = jax.random.key(seed)
    k1, k2 = jax.random.split(key)
    outputs = jax.random.normal(k1, (N, D), dtype=jnp.float32)
    atom_split = jnp.sort(jax.random.randint(k2, (N,), 0, BATCH_SIZE, dtype=jnp.int64))
    return {"outputs": outputs, "atom_split": atom_split}

def reference(outputs, atom_split):
    # WeaveGather.call with gaussian_expand=False:
    # output_molecules = tf.segment_sum(outputs, atom_split)
    output_molecules = jax.ops.segment_sum(outputs, atom_split, num_segments=BATCH_SIZE)
    return output_molecules

if __name__ == "__main__":
    import jax
    _d = setup_inputs()
    print(jax.jit(kernel)(*tuple(_d.values())))

</pallas_src>

<mosaic_0001>
#map = affine_map<(d0, d1) -> (0, 0)>
#map1 = affine_map<(d0, d1) -> (0, 0, 0)>
module attributes {stable_mosaic.version = 14 : i64} {
  func.func @k(%arg0: i32, %arg1: i32, %arg2: memref<15360x128xf32, #tpu.memory_space<hbm>>, %arg3: memref<32x4x120xi32, #tpu.memory_space<hbm>>, %arg4: memref<2x1024x128xf32, #tpu.memory_space<hbm>>, %arg5: memref<4x120xi32, #tpu.memory_space<vmem>>, %arg6: memref<240x128xf32, #tpu.memory_space<vmem>>, %arg7: memref<72x128xf32, #tpu.memory_space<vmem>>, %arg8: memref<1152x128xf32, #tpu.memory_space<vmem_shared>>, %arg9: memref<!tpu.dma_semaphore, #tpu.memory_space<semaphore_mem>>) attributes {dimension_semantics = [#tpu.dimension_semantics<core_parallel>, #tpu.dimension_semantics<subcore_parallel>], iteration_bounds = array<i64: 2, 16>, scalar_prefetch = 0 : i64, scratch_operands = 5 : i64, tpu.core_type = #tpu.core_type<sc_vector_subcore>, window_params = [{transform_indices = #map}, {transform_indices = #map1}, {transform_indices = #map1}]} {
    %mul3A = arith.constant 16 : i32
    %mul3A_0 = arith.muli %arg0, %mul3A : i32
    %add3A = arith.addi %mul3A_0, %arg1 : i32
    %scan3A = arith.constant 0 : i32
    %scan3A_1 = arith.constant 0 : i32
    %scan3A_2 = arith.constant 72 : i32
    %scan3A_3 = arith.addi %scan3A_1, %scan3A_2 : i32
    %scan3A_4 = arith.constant 1 : i32
    scf.for %scan3A_99 = %scan3A_1 to %scan3A_3 step %scan3A_4  : i32 {
      %broadcast_in_dim3A = arith.constant 0.000000e+00 : f32
      %broadcast_in_dim3A_100 = vector.broadcast %broadcast_in_dim3A : f32 to vector<16xf32>
      %swap3A = arith.index_cast %scan3A_99 : i32 to index
      %swap3A_101 = arith.constant 0 : index
      %swap3A_102 = tpu.vector_load %arg7[%swap3A, %swap3A_101] {strides = array<i32>} : memref<72x128xf32, #tpu.memory_space<vmem>>, vector<1x16xf32>,
      %swap3A_103 = vector.shape_cast %swap3A_102 : vector<1x16xf32> to vector<16xf32>
      %swap3A_104 = vector.shape_cast %broadcast_in_dim3A_100 : vector<16xf32> to vector<1x16xf32>
      tpu.vector_store %arg7[%swap3A, %swap3A_101], %swap3A_104 {strides = array<i32>} : memref<72x128xf32, #tpu.memory_space<vmem>>, vector<1x16xf32>,
      %broadcast_in_dim3A_105 = arith.constant 0.000000e+00 : f32
      %broadcast_in_dim3A_106 = vector.broadcast %broadcast_in_dim3A_105 : f32 to vector<16xf32>
      %swap3A_107 = arith.index_cast %scan3A_99 : i32 to index
      %swap3A_108 = arith.constant 16 : index
      %swap3A_109 = tpu.vector_load %arg7[%swap3A_107, %swap3A_108] {strides = array<i32>} : memref<72x128xf32, #tpu.memory_space<vmem>>, vector<1x16xf32>,
      %swap3A_110 = vector.shape_cast %swap3A_109 : vector<1x16xf32> to vector<16xf32>
      %swap3A_111 = vector.shape_cast %broadcast_in_dim3A_106 : vector<16xf32> to vector<1x16xf32>
      tpu.vector_store %arg7[%swap3A_107, %swap3A_108], %swap3A_111 {strides = array<i32>} : memref<72x128xf32, #tpu.memory_space<vmem>>, vector<1x16xf32>,
      %broadcast_in_dim3A_112 = arith.constant 0.000000e+00 : f32
      %broadcast_in_dim3A_113 = vector.broadcast %broadcast_in_dim3A_112 : f32 to vector<16xf32>
      %swap3A_114 = arith.index_cast %scan3A_99 : i32 to index
      %swap3A_115 = arith.constant 32 : index
      %swap3A_116 = tpu.vector_load %arg7[%swap3A_114, %swap3A_115] {strides = array<i32>} : memref<72x128xf32, #tpu.memory_space<vmem>>, vector<1x16xf32>,
      %swap3A_117 = vector.shape_cast %swap3A_116 : vector<1x16xf32> to vector<16xf32>
      %swap3A_118 = vector.shape_cast %broadcast_in_dim3A_113 : vector<16xf32> to vector<1x16xf32>
      tpu.vector_store %arg7[%swap3A_114, %swap3A_115], %swap3A_118 {strides = array<i32>} : memref<72x128xf32, #tpu.memory_space<vmem>>, vector<1x16xf32>,
      %broadcast_in_dim3A_119 = arith.constant 0.000000e+00 : f32
      %broadcast_in_dim3A_120 = vector.broadcast %broadcast_in_dim3A_119 : f32 to vector<16xf32>
      %swap3A_121 = arith.index_cast %scan3A_99 : i32 to index
      %swap3A_122 = arith.constant 48 : index
      %swap3A_123 = tpu.vector_load %arg7[%swap3A_121, %swap3A_122] {strides = array<i32>} : memref<72x128xf32, #tpu.memory_space<vmem>>, vector<1x16xf32>,
      %swap3A_124 = vector.shape_cast %swap3A_123 : vector<1x16xf32> to vector<16xf32>
      %swap3A_125 = vector.shape_cast %broadcast_in_dim3A_120 : vector<16xf32> to vector<1x16xf32>
      tpu.vector_store %arg7[%swap3A_121, %swap3A_122], %swap3A_125 {strides = array<i32>} : memref<72x128xf32, #tpu.memory_space<vmem>>, vector<1x16xf32>,
      %broadcast_in_dim3A_126 = arith.constant 0.000000e+00 : f32
      %broadcast_in_dim3A_127 = vector.broadcast %broadcast_in_dim3A_126 : f32 to vector<16xf32>
      %swap3A_128 = arith.index_cast %scan3A_99 : i32 to index
      %swap3A_129 = arith.constant 64 : index
      %swap3A_130 = tpu.vector_load %arg7[%swap3A_128, %swap3A_129] {strides = array<i32>} : memref<72x128xf32, #tpu.memory_space<vmem>>, vector<1x16xf32>,
      %swap3A_131 = vector.shape_cast %swap3A_130 : vector<1x16xf32> to vector<16xf32>
      %swap3A_132 = vector.shape_cast %broadcast_in_dim3A_127 : vector<16xf32> to vector<1x16xf32>
      tpu.vector_store %arg7[%swap3A_128, %swap3A_129], %swap3A_132 {strides = array<i32>} : memref<72x128xf32, #tpu.memory_space<vmem>>, vector<1x16xf32>,
      %broadcast_in_dim3A_133 = arith.constant 0.000000e+00 : f32
      %broadcast_in_dim3A_134 = vector.broadcast %broadcast_in_dim3A_133 : f32 to vector<16xf32>
      %swap3A_135 = arith.index_cast %scan3A_99 : i32 to index
      %swap3A_136 = arith.constant 80 : index
      %swap3A_137 = tpu.vector_load %arg7[%swap3A_135, %swap3A_136] {strides = array<i32>} : memref<72x128xf32, #tpu.memory_space<vmem>>, vector<1x16xf32>,
      %swap3A_138 = vector.shape_cast %swap3A_137 : vector<1x16xf32> to vector<16xf32>
      %swap3A_139 = vector.shape_cast %broadcast_in_dim3A_134 : vector<16xf32> to vector<1x16xf32>
      tpu.vector_store %arg7[%swap3A_135, %swap3A_136], %swap3A_139 {strides = array<i32>} : memref<72x128xf32, #tpu.memory_space<vmem>>, vector<1x16xf32>,
      %broadcast_in_dim3A_140 = arith.constant 0.000000e+00 : f32
      %broadcast_in_dim3A_141 = vector.broadcast %broadcast_in_dim3A_140 : f32 to vector<16xf32>
      %swap3A_142 = arith.index_cast %scan3A_99 : i32 to index
      %swap3A_143 = arith.constant 96 : index
      %swap3A_144 = tpu.vector_load %arg7[%swap3A_142, %swap3A_143] {strides = array<i32>} : memref<72x128xf32, #tpu.memory_space<vmem>>, vector<1x16xf32>,
      %swap3A_145 = vector.shape_cast %swap3A_144 : vector<1x16xf32> to vector<16xf32>
      %swap3A_146 = vector.shape_cast %broadcast_in_dim3A_141 : vector<16xf32> to vector<1x16xf32>
      tpu.vector_store %arg7[%swap3A_142, %swap3A_143], %swap3A_146 {strides = array<i32>} : memref<72x128xf32, #tpu.memory_space<vmem>>, vector<1x16xf32>,
      %broadcast_in_dim3A_147 = arith.constant 0.000000e+00 : f32
      %broadcast_in_dim3A_148 = vector.broadcast %broadcast_in_dim3A_147 : f32 to vector<16xf32>
      %swap3A_149 = arith.index_cast %scan3A_99 : i32 to index
      %swap3A_150 = arith.constant 112 : index
      %swap3A_151 = tpu.vector_load %arg7[%swap3A_149, %swap3A_150] {strides = array<i32>} : memref<72x128xf32, #tpu.memory_space<vmem>>, vector<1x16xf32>,
      %swap3A_152 = vector.shape_cast %swap3A_151 : vector<1x16xf32> to vector<16xf32>
      %swap3A_153 = vector.shape_cast %broadcast_in_dim3A_148 : vector<16xf32> to vector<1x16xf32>
      tpu.vector_store %arg7[%swap3A_149, %swap3A_150], %swap3A_153 {strides = array<i32>} : memref<72x128xf32, #tpu.memory_space<vmem>>, vector<1x16xf32>,
    }
    %scan3A_5 = arith.constant 72 : i32
    %mul3A_6 = arith.constant 72 : i32
    %mul3A_7 = arith.muli %arg1, %mul3A_6 : i32
    "tpu.region"() ({
      %run_scoped3A = tpu.sem_alloc : memref<!tpu.dma_semaphore, #tpu.memory_space<semaphore_mem>>
      %dma_start3A_99 = arith.constant 0 : i32
      %dma_start3A_100 = tpu.memref_slice %arg8[%mul3A_7, %dma_start3A_99] : memref<1152x128xf32, #tpu.memory_space<vmem_shared>> -> memref<72x128xf32, #tpu.memory_space<vmem_shared>>
      %dma_start3A_101 = arith.constant 0 : i32
      %dma_start3A_102 = tpu.memref_slice %arg8[%mul3A_7, %dma_start3A_101] : memref<1152x128xf32, #tpu.memory_space<vmem_shared>> -> memref<72x128xf32, #tpu.memory_space<vmem_shared>>
      tpu.enqueue_dma source(%arg7 : memref<72x128xf32, #tpu.memory_space<vmem>>) target(%dma_start3A_102 : memref<72x128xf32, #tpu.memory_space<vmem_shared>>) target_semaphore(%run_scoped3A : memref<!tpu.dma_semaphore, #tpu.memory_space<semaphore_mem>>)
      %dma_wait3A_103 = arith.constant 0 : i32
      %dma_wait3A_104 = tpu.memref_slice %arg8[%mul3A_7, %dma_wait3A_103] : memref<1152x128xf32, #tpu.memory_space<vmem_shared>> -> memref<72x128xf32, #tpu.memory_space<vmem_shared>>
      %dma_wait3A_105 = arith.constant 0 : i32
      %dma_wait3A_106 = tpu.memref_slice %arg8[%mul3A_7, %dma_wait3A_105] : memref<1152x128xf32, #tpu.memory_space<vmem_shared>> -> memref<72x128xf32, #tpu.memory_space<vmem_shared>>
      tpu.wait_dma2 semaphore(%run_scoped3A : memref<!tpu.dma_semaphore, #tpu.memory_space<semaphore_mem>>) src(%arg7 : memref<72x128xf32, #tpu.memory_space<vmem>>) dst(%dma_wait3A_106 : memref<72x128xf32, #tpu.memory_space<vmem_shared>>)
      tpu.yield
    }) : () -> ()
    "tpu.region"() ({
      %run_scoped3A = tpu.sem_alloc : memref<!tpu.dma_semaphore, #tpu.memory_space<semaphore_mem>>
      %dma_start3A_99 = arith.constant 0 : i32
      %dma_start3A_100 = arith.constant 0 : i32
      %dma_start3A_101 = tpu.memref_slice %arg3[%add3A, %dma_start3A_99, %dma_start3A_100] : memref<32x4x120xi32, #tpu.memory_space<hbm>> -> memref<1x4x120xi32, #tpu.memory_space<hbm>>
      %dma_start3A_102 = tpu.memref_squeeze %dma_start3A_101 : memref<1x4x120xi32, #tpu.memory_space<hbm>> -> memref<4x120xi32, #tpu.memory_space<hbm>>
      %dma_start3A_103 = arith.constant 0 : i32
      %dma_start3A_104 = arith.constant 0 : i32
      %dma_start3A_105 = tpu.memref_slice %arg3[%add3A, %dma_start3A_103, %dma_start3A_104] : memref<32x4x120xi32, #tpu.memory_space<hbm>> -> memref<1x4x120xi32, #tpu.memory_space<hbm>>
      %dma_start3A_106 = tpu.memref_squeeze %dma_start3A_105 : memref<1x4x120xi32, #tpu.memory_space<hbm>> -> memref<4x120xi32, #tpu.memory_space<hbm>>
      tpu.enqueue_dma source(%dma_start3A_106 : memref<4x120xi32, #tpu.memory_space<hbm>>) target(%arg5 : memref<4x120xi32, #tpu.memory_space<vmem>>) target_semaphore(%run_scoped3A : memref<!tpu.dma_semaphore, #tpu.memory_space<semaphore_mem>>)
      %dma_wait3A_107 = arith.constant 0 : i32
      %dma_wait3A_108 = arith.constant 0 : i32
      %dma_wait3A_109 = tpu.memref_slice %arg3[%add3A, %dma_wait3A_107, %dma_wait3A_108] : memref<32x4x120xi32, #tpu.memory_space<hbm>> -> memref<1x4x120xi32, #tpu.memory_space<hbm>>
      %dma_wait3A_110 = tpu.memref_squeeze %dma_wait3A_109 : memref<1x4x120xi32, #tpu.memory_space<hbm>> -> memref<4x120xi32, #tpu.memory_space<hbm>>
      %dma_wait3A_111 = arith.constant 0 : i32
      %dma_wait3A_112 = arith.constant 0 : i32
      %dma_wait3A_113 = tpu.memref_slice %arg3[%add3A, %dma_wait3A_111, %dma_wait3A_112] : memref<32x4x120xi32, #tpu.memory_space<hbm>> -> memref<1x4x120xi32, #tpu.memory_space<hbm>>
      %dma_wait3A_114 = tpu.memref_squeeze %dma_wait3A_113 : memref<1x4x120xi32, #tpu.memory_space<hbm>> -> memref<4x120xi32, #tpu.memory_space<hbm>>
      tpu.wait_dma2 semaphore(%run_scoped3A : memref<!tpu.dma_semaphore, #tpu.memory_space<semaphore_mem>>) src(%dma_wait3A_114 : memref<4x120xi32, #tpu.memory_space<hbm>>) dst(%arg5 : memref<4x120xi32, #tpu.memory_space<vmem>>)
      tpu.yield
    }) : () -> ()
    %barrier3A = arith.constant 0 : index
    tpu.barrier barrier_id(%barrier3A)
    %mul3A_8 = arith.constant 480 : i32
    %mul3A_9 = arith.muli %add3A, %mul3A_8 : i32
    %add3A_10 = arith.constant 0 : i32
    %add3A_11 = arith.addi %mul3A_9, %add3A_10 : i32
    "tpu.region"() ({
      %run_scoped3A = tpu.sem_alloc : memref<!tpu.dma_semaphore, #tpu.memory_space<semaphore_mem>>
      %dma_start3A_99 = arith.constant 0 : i32
      %dma_start3A_100 = tpu.memref_slice %arg2[%add3A_11, %dma_start3A_99] : memref<15360x128xf32, #tpu.memory_space<hbm>> -> memref<240x128xf32, #tpu.memory_space<hbm>>
      %dma_start3A_101 = arith.constant 0 : i32
      %dma_start3A_102 = tpu.memref_slice %arg2[%add3A_11, %dma_start3A_101] : memref<15360x128xf32, #tpu.memory_space<hbm>> -> memref<240x128xf32, #tpu.memory_space<hbm>>
      tpu.enqueue_dma source(%dma_start3A_102 : memref<240x128xf32, #tpu.memory_space<hbm>>) target(%arg6 : memref<240x128xf32, #tpu.memory_space<vmem>>) target_semaphore(%run_scoped3A : memref<!tpu.dma_semaphore, #tpu.memory_space<semaphore_mem>>)
      %dma_wait3A_103 = arith.constant 0 : i32
      %dma_wait3A_104 = tpu.memref_slice %arg2[%add3A_11, %dma_wait3A_103] : memref<15360x128xf32, #tpu.memory_space<hbm>> -> memref<240x128xf32, #tpu.memory_space<hbm>>
      %dma_wait3A_105 = arith.constant 0 : i32
      %dma_wait3A_106 = tpu.memref_slice %arg2[%add3A_11, %dma_wait3A_105] : memref<15360x128xf32, #tpu.memory_space<hbm>> -> memref<240x128xf32, #tpu.memory_space<hbm>>
      tpu.wait_dma2 semaphore(%run_scoped3A : memref<!tpu.dma_semaphore, #tpu.memory_space<semaphore_mem>>) src(%dma_wait3A_106 : memref<240x128xf32, #tpu.memory_space<hbm>>) dst(%arg6 : memref<240x128xf32, #tpu.memory_space<vmem>>)
      tpu.yield
    }) : () -> ()
    %dma_start3A = arith.constant 0 : i32
    %dma_start3A_12 = arith.constant 0 : i32
    %dma_start3A_13 = arith.constant 0 : i32
    %dma_start3A_14 = tpu.memref_slice %arg6[%dma_start3A_12, %dma_start3A_13] : memref<240x128xf32, #tpu.memory_space<vmem>> -> memref<120x128xf32, #tpu.memory_space<vmem>>
    %dma_start3A_15 = arith.constant 0 : i32
    %dma_start3A_16 = tpu.memref_slice %arg5[%dma_start3A, %dma_start3A_15] : memref<4x120xi32, #tpu.memory_space<vmem>> -> memref<1x120xi32, #tpu.memory_space<vmem>>
    %dma_start3A_17 = tpu.memref_squeeze %dma_start3A_16 : memref<1x120xi32, #tpu.memory_space<vmem>> -> memref<120xi32, #tpu.memory_space<vmem>>
    %dma_start3A_18 = arith.constant 0 : i32
    %dma_start3A_19 = arith.constant 0 : i32
    %dma_start3A_20 = tpu.memref_slice %arg8[%dma_start3A_18, %dma_start3A_19] : memref<1152x128xf32, #tpu.memory_space<vmem_shared>> -> memref<1152x128xf32, #tpu.memory_space<vmem_shared>>
    tpu.enqueue_indirect_dma source(%dma_start3A_14 : memref<120x128xf32, #tpu.memory_space<vmem>>) target(%dma_start3A_20 : memref<1152x128xf32, #tpu.memory_space<vmem_shared>>) offsets(%dma_start3A_17 : memref<120xi32, #tpu.memory_space<vmem>>) semaphore(%arg9 : memref<!tpu.dma_semaphore, #tpu.memory_space<semaphore_mem>>) {add = true}
    %dma_start3A_21 = arith.constant 1 : i32
    %dma_start3A_22 = arith.constant 120 : i32
    %dma_start3A_23 = arith.constant 0 : i32
    %dma_start3A_24 = tpu.memref_slice %arg6[%dma_start3A_22, %dma_start3A_23] : memref<240x128xf32, #tpu.memory_space<vmem>> -> memref<120x128xf32, #tpu.memory_space<vmem>>
    %dma_start3A_25 = arith.constant 0 : i32
    %dma_start3A_26 = tpu.memref_slice %arg5[%dma_start3A_21, %dma_start3A_25] : memref<4x120xi32, #tpu.memory_space<vmem>> -> memref<1x120xi32, #tpu.memory_space<vmem>>
    %dma_start3A_27 = tpu.memref_squeeze %dma_start3A_26 : memref<1x120xi32, #tpu.memory_space<vmem>> -> memref<120xi32, #tpu.memory_space<vmem>>
    %dma_start3A_28 = arith.constant 0 : i32
    %dma_start3A_29 = arith.constant 0 : i32
    %dma_start3A_30 = tpu.memref_slice %arg8[%dma_start3A_28, %dma_start3A_29] : memref<1152x128xf32, #tpu.memory_space<vmem_shared>> -> memref<1152x128xf32, #tpu.memory_space<vmem_shared>>
    tpu.enqueue_indirect_dma source(%dma_start3A_24 : memref<120x128xf32, #tpu.memory_space<vmem>>) target(%dma_start3A_30 : memref<1152x128xf32, #tpu.memory_space<vmem_shared>>) offsets(%dma_start3A_27 : memref<120xi32, #tpu.memory_space<vmem>>) semaphore(%arg9 : memref<!tpu.dma_semaphore, #tpu.memory_space<semaphore_mem>>) {add = true}
    %dma_wait3A = arith.constant 0 : i32
    %dma_wait3A_31 = arith.constant 0 : i32
    %dma_wait3A_32 = arith.constant 0 : i32
    %dma_wait3A_33 = tpu.memref_slice %arg6[%dma_wait3A_31, %dma_wait3A_32] : memref<240x128xf32, #tpu.memory_space<vmem>> -> memref<120x128xf32, #tpu.memory_space<vmem>>
    %dma_wait3A_34 = arith.constant 0 : i32
    %dma_wait3A_35 = tpu.memref_slice %arg5[%dma_wait3A, %dma_wait3A_34] : memref<4x120xi32, #tpu.memory_space<vmem>> -> memref<1x120xi32, #tpu.memory_space<vmem>>
    %dma_wait3A_36 = tpu.memref_squeeze %dma_wait3A_35 : memref<1x120xi32, #tpu.memory_space<vmem>> -> memref<120xi32, #tpu.memory_space<vmem>>
    %dma_wait3A_37 = arith.constant 0 : i32
    %dma_wait3A_38 = arith.constant 0 : i32
    %dma_wait3A_39 = tpu.memref_slice %arg8[%dma_wait3A_37, %dma_wait3A_38] : memref<1152x128xf32, #tpu.memory_space<vmem_shared>> -> memref<1152x128xf32, #tpu.memory_space<vmem_shared>>
    tpu.wait_indirect_dma semaphore(%arg9 : memref<!tpu.dma_semaphore, #tpu.memory_space<semaphore_mem>>) src(%dma_wait3A_33 : memref<120x128xf32, #tpu.memory_space<vmem>>) dst(%dma_wait3A_39 : memref<1152x128xf32, #tpu.memory_space<vmem_shared>>)
    %dma_wait3A_40 = arith.constant 1 : i32
    %dma_wait3A_41 = arith.constant 120 : i32
    %dma_wait3A_42 = arith.constant 0 : i32
    %dma_wait3A_43 = tpu.memref_slice %arg6[%dma_wait3A_41, %dma_wait3A_42] : memref<240x128xf32, #tpu.memory_space<vmem>> -> memref<120x128xf32, #tpu.memory_space<vmem>>
    %dma_wait3A_44 = arith.constant 0 : i32
    %dma_wait3A_45 = tpu.memref_slice %arg5[%dma_wait3A_40, %dma_wait3A_44] : memref<4x120xi32, #tpu.memory_space<vmem>> -> memref<1x120xi32, #tpu.memory_space<vmem>>
    %dma_wait3A_46 = tpu.memref_squeeze %dma_wait3A_45 : memref<1x120xi32, #tpu.memory_space<vmem>> -> memref<120xi32, #tpu.memory_space<vmem>>
    %dma_wait3A_47 = arith.constant 0 : i32
    %dma_wait3A_48 = arith.constant 0 : i32
    %dma_wait3A_49 = tpu.memref_slice %arg8[%dma_wait3A_47, %dma_wait3A_48] : memref<1152x128xf32, #tpu.memory_space<vmem_shared>> -> memref<1152x128xf32, #tpu.memory_space<vmem_shared>>
    tpu.wait_indirect_dma semaphore(%arg9 : memref<!tpu.dma_semaphore, #tpu.memory_space<semaphore_mem>>) src(%dma_wait3A_43 : memref<120x128xf32, #tpu.memory_space<vmem>>) dst(%dma_wait3A_49 : memref<1152x128xf32, #tpu.memory_space<vmem_shared>>)
    %mul3A_50 = arith.constant 480 : i32
    %mul3A_51 = arith.muli %add3A, %mul3A_50 : i32
    %add3A_52 = arith.constant 240 : i32
    %add3A_53 = arith.addi %mul3A_51, %add3A_52 : i32
    "tpu.region"() ({
      %run_scoped3A = tpu.sem_alloc : memref<!tpu.dma_semaphore, #tpu.memory_space<semaphore_mem>>
      %dma_start3A_99 = arith.constant 0 : i32
      %dma_start3A_100 = tpu.memref_slice %arg2[%add3A_53, %dma_start3A_99] : memref<15360x128xf32, #tpu.memory_space<hbm>> -> memref<240x128xf32, #tpu.memory_space<hbm>>
      %dma_start3A_101 = arith.constant 0 : i32
      %dma_start3A_102 = tpu.memref_slice %arg2[%add3A_53, %dma_start3A_101] : memref<15360x128xf32, #tpu.memory_space<hbm>> -> memref<240x128xf32, #tpu.memory_space<hbm>>
      tpu.enqueue_dma source(%dma_start3A_102 : memref<240x128xf32, #tpu.memory_space<hbm>>) target(%arg6 : memref<240x128xf32, #tpu.memory_space<vmem>>) target_semaphore(%run_scoped3A : memref<!tpu.dma_semaphore, #tpu.memory_space<semaphore_mem>>)
      %dma_wait3A_103 = arith.constant 0 : i32
      %dma_wait3A_104 = tpu.memref_slice %arg2[%add3A_53, %dma_wait3A_103] : memref<15360x128xf32, #tpu.memory_space<hbm>> -> memref<240x128xf32, #tpu.memory_space<hbm>>
      %dma_wait3A_105 = arith.constant 0 : i32
      %dma_wait3A_106 = tpu.memref_slice %arg2[%add3A_53, %dma_wait3A_105] : memref<15360x128xf32, #tpu.memory_space<hbm>> -> memref<240x128xf32, #tpu.memory_space<hbm>>
      tpu.wait_dma2 semaphore(%run_scoped3A : memref<!tpu.dma_semaphore, #tpu.memory_space<semaphore_mem>>) src(%dma_wait3A_106 : memref<240x128xf32, #tpu.memory_space<hbm>>) dst(%arg6 : memref<240x128xf32, #tpu.memory_space<vmem>>)
      tpu.yield
    }) : () -> ()
    %dma_start3A_54 = arith.constant 2 : i32
    %dma_start3A_55 = arith.constant 0 : i32
    %dma_start3A_56 = arith.constant 0 : i32
    %dma_start3A_57 = tpu.memref_slice %arg6[%dma_start3A_55, %dma_start3A_56] : memref<240x128xf32, #tpu.memory_space<vmem>> -> memref<120x128xf32, #tpu.memory_space<vmem>>
    %dma_start3A_58 = arith.constant 0 : i32
    %dma_start3A_59 = tpu.memref_slice %arg5[%dma_start3A_54, %dma_start3A_58] : memref<4x120xi32, #tpu.memory_space<vmem>> -> memref<1x120xi32, #tpu.memory_space<vmem>>
    %dma_start3A_60 = tpu.memref_squeeze %dma_start3A_59 : memref<1x120xi32, #tpu.memory_space<vmem>> -> memref<120xi32, #tpu.memory_space<vmem>>
    %dma_start3A_61 = arith.constant 0 : i32
    %dma_start3A_62 = arith.constant 0 : i32
    %dma_start3A_63 = tpu.memref_slice %arg8[%dma_start3A_61, %dma_start3A_62] : memref<1152x128xf32, #tpu.memory_space<vmem_shared>> -> memref<1152x128xf32, #tpu.memory_space<vmem_shared>>
    tpu.enqueue_indirect_dma source(%dma_start3A_57 : memref<120x128xf32, #tpu.memory_space<vmem>>) target(%dma_start3A_63 : memref<1152x128xf32, #tpu.memory_space<vmem_shared>>) offsets(%dma_start3A_60 : memref<120xi32, #tpu.memory_space<vmem>>) semaphore(%arg9 : memref<!tpu.dma_semaphore, #tpu.memory_space<semaphore_mem>>) {add = true}
    %dma_start3A_64 = arith.constant 3 : i32
    %dma_start3A_65 = arith.constant 120 : i32
    %dma_start3A_66 = arith.constant 0 : i32
    %dma_start3A_67 = tpu.memref_slice %arg6[%dma_start3A_65, %dma_start3A_66] : memref<240x128xf32, #tpu.memory_space<vmem>> -> memref<120x128xf32, #tpu.memory_space<vmem>>
    %dma_start3A_68 = arith.constant 0 : i32
    %dma_start3A_69 = tpu.memref_slice %arg5[%dma_start3A_64, %dma_start3A_68] : memref<4x120xi32, #tpu.memory_space<vmem>> -> memref<1x120xi32, #tpu.memory_space<vmem>>
    %dma_start3A_70 = tpu.memref_squeeze %dma_start3A_69 : memref<1x120xi32, #tpu.memory_space<vmem>> -> memref<120xi32, #tpu.memory_space<vmem>>
    %dma_start3A_71 = arith.constant 0 : i32
    %dma_start3A_72 = arith.constant 0 : i32
    %dma_start3A_73 = tpu.memref_slice %arg8[%dma_start3A_71, %dma_start3A_72] : memref<1152x128xf32, #tpu.memory_space<vmem_shared>> -> memref<1152x128xf32, #tpu.memory_space<vmem_shared>>
    tpu.enqueue_indirect_dma source(%dma_start3A_67 : memref<120x128xf32, #tpu.memory_space<vmem>>) target(%dma_start3A_73 : memref<1152x128xf32, #tpu.memory_space<vmem_shared>>) offsets(%dma_start3A_70 : memref<120xi32, #tpu.memory_space<vmem>>) semaphore(%arg9 : memref<!tpu.dma_semaphore, #tpu.memory_space<semaphore_mem>>) {add = true}
    %dma_wait3A_74 = arith.constant 2 : i32
    %dma_wait3A_75 = arith.constant 0 : i32
    %dma_wait3A_76 = arith.constant 0 : i32
    %dma_wait3A_77 = tpu.memref_slice %arg6[%dma_wait3A_75, %dma_wait3A_76] : memref<240x128xf32, #tpu.memory_space<vmem>> -> memref<120x128xf32, #tpu.memory_space<vmem>>
    %dma_wait3A_78 = arith.constant 0 : i32
    %dma_wait3A_79 = tpu.memref_slice %arg5[%dma_wait3A_74, %dma_wait3A_78] : memref<4x120xi32, #tpu.memory_space<vmem>> -> memref<1x120xi32, #tpu.memory_space<vmem>>
    %dma_wait3A_80 = tpu.memref_squeeze %dma_wait3A_79 : memref<1x120xi32, #tpu.memory_space<vmem>> -> memref<120xi32, #tpu.memory_space<vmem>>
    %dma_wait3A_81 = arith.constant 0 : i32
    %dma_wait3A_82 = arith.constant 0 : i32
    %dma_wait3A_83 = tpu.memref_slice %arg8[%dma_wait3A_81, %dma_wait3A_82] : memref<1152x128xf32, #tpu.memory_space<vmem_shared>> -> memref<1152x128xf32, #tpu.memory_space<vmem_shared>>
    tpu.wait_indirect_dma semaphore(%arg9 : memref<!tpu.dma_semaphore, #tpu.memory_space<semaphore_mem>>) src(%dma_wait3A_77 : memref<120x128xf32, #tpu.memory_space<vmem>>) dst(%dma_wait3A_83 : memref<1152x128xf32, #tpu.memory_space<vmem_shared>>)
    %dma_wait3A_84 = arith.constant 3 : i32
    %dma_wait3A_85 = arith.constant 120 : i32
    %dma_wait3A_86 = arith.constant 0 : i32
    %dma_wait3A_87 = tpu.memref_slice %arg6[%dma_wait3A_85, %dma_wait3A_86] : memref<240x128xf32, #tpu.memory_space<vmem>> -> memref<120x128xf32, #tpu.memory_space<vmem>>
    %dma_wait3A_88 = arith.constant 0 : i32
    %dma_wait3A_89 = tpu.memref_slice %arg5[%dma_wait3A_84, %dma_wait3A_88] : memref<4x120xi32, #tpu.memory_space<vmem>> -> memref<1x120xi32, #tpu.memory_space<vmem>>
    %dma_wait3A_90 = tpu.memref_squeeze %dma_wait3A_89 : memref<1x120xi32, #tpu.memory_space<vmem>> -> memref<120xi32, #tpu.memory_space<vmem>>
    %dma_wait3A_91 = arith.constant 0 : i32
    %dma_wait3A_92 = arith.constant 0 : i32
    %dma_wait3A_93 = tpu.memref_slice %arg8[%dma_wait3A_91, %dma_wait3A_92] : memref<1152x128xf32, #tpu.memory_space<vmem_shared>> -> memref<1152x128xf32, #tpu.memory_space<vmem_shared>>
    tpu.wait_indirect_dma semaphore(%arg9 : memref<!tpu.dma_semaphore, #tpu.memory_space<semaphore_mem>>) src(%dma_wait3A_87 : memref<120x128xf32, #tpu.memory_space<vmem>>) dst(%dma_wait3A_93 : memref<1152x128xf32, #tpu.memory_space<vmem_shared>>)
    %barrier3A_94 = arith.constant 0 : index
    tpu.barrier barrier_id(%barrier3A_94)
    %mul3A_95 = arith.constant 64 : i32
    %mul3A_96 = arith.muli %arg1, %mul3A_95 : i32
    "tpu.region"() ({
      %run_scoped3A = tpu.sem_alloc : memref<!tpu.dma_semaphore, #tpu.memory_space<semaphore_mem>>
      %dma_start3A_99 = arith.constant 0 : i32
      %dma_start3A_100 = arith.constant 0 : i32
      %dma_start3A_101 = tpu.memref_slice %arg7[%dma_start3A_99, %dma_start3A_100] : memref<72x128xf32, #tpu.memory_space<vmem>> -> memref<64x128xf32, #tpu.memory_space<vmem>>
      %dma_start3A_102 = arith.constant 0 : i32
      %dma_start3A_103 = tpu.memref_slice %arg8[%mul3A_96, %dma_start3A_102] : memref<1152x128xf32, #tpu.memory_space<vmem_shared>> -> memref<64x128xf32, #tpu.memory_space<vmem_shared>>
      %dma_start3A_104 = arith.constant 0 : i32
      %dma_start3A_105 = arith.constant 0 : i32
      %dma_start3A_106 = tpu.memref_slice %arg7[%dma_start3A_104, %dma_start3A_105] : memref<72x128xf32, #tpu.memory_space<vmem>> -> memref<64x128xf32, #tpu.memory_space<vmem>>
      %dma_start3A_107 = arith.constant 0 : i32
      %dma_start3A_108 = tpu.memref_slice %arg8[%mul3A_96, %dma_start3A_107] : memref<1152x128xf32, #tpu.memory_space<vmem_shared>> -> memref<64x128xf32, #tpu.memory_space<vmem_shared>>
      tpu.enqueue_dma source(%dma_start3A_108 : memref<64x128xf32, #tpu.memory_space<vmem_shared>>) target(%dma_start3A_106 : memref<64x128xf32, #tpu.memory_space<vmem>>) target_semaphore(%run_scoped3A : memref<!tpu.dma_semaphore, #tpu.memory_space<semaphore_mem>>)
      %dma_wait3A_109 = arith.constant 0 : i32
      %dma_wait3A_110 = arith.constant 0 : i32
      %dma_wait3A_111 = tpu.memref_slice %arg7[%dma_wait3A_109, %dma_wait3A_110] : memref<72x128xf32, #tpu.memory_space<vmem>> -> memref<64x128xf32, #tpu.memory_space<vmem>>
      %dma_wait3A_112 = arith.constant 0 : i32
      %dma_wait3A_113 = tpu.memref_slice %arg8[%mul3A_96, %dma_wait3A_112] : memref<1152x128xf32, #tpu.memory_space<vmem_shared>> -> memref<64x128xf32, #tpu.memory_space<vmem_shared>>
      %dma_wait3A_114 = arith.constant 0 : i32
      %dma_wait3A_115 = arith.constant 0 : i32
      %dma_wait3A_116 = tpu.memref_slice %arg7[%dma_wait3A_114, %dma_wait3A_115] : memref<72x128xf32, #tpu.memory_space<vmem>> -> memref<64x128xf32, #tpu.memory_space<vmem>>
      %dma_wait3A_117 = arith.constant 0 : i32
      %dma_wait3A_118 = tpu.memref_slice %arg8[%mul3A_96, %dma_wait3A_117] : memref<1152x128xf32, #tpu.memory_space<vmem_shared>> -> memref<64x128xf32, #tpu.memory_space<vmem_shared>>
      tpu.wait_dma2 semaphore(%run_scoped3A : memref<!tpu.dma_semaphore, #tpu.memory_space<semaphore_mem>>) src(%dma_wait3A_118 : memref<64x128xf32, #tpu.memory_space<vmem_shared>>) dst(%dma_wait3A_116 : memref<64x128xf32, #tpu.memory_space<vmem>>)
      tpu.yield
    }) : () -> ()
    %mul3A_97 = arith.constant 64 : i32
    %mul3A_98 = arith.muli %arg1, %mul3A_97 : i32
    "tpu.region"() ({
      %run_scoped3A = tpu.sem_alloc : memref<!tpu.dma_semaphore, #tpu.memory_space<semaphore_mem>>
      %dma_start3A_99 = arith.constant 0 : i32
      %dma_start3A_100 = arith.constant 0 : i32
      %dma_start3A_101 = tpu.memref_slice %arg7[%dma_start3A_99, %dma_start3A_100] : memref<72x128xf32, #tpu.memory_space<vmem>> -> memref<64x128xf32, #tpu.memory_space<vmem>>
      %dma_start3A_102 = arith.constant 0 : i32
      %dma_start3A_103 = tpu.memref_slice %arg4[%arg0, %mul3A_98, %dma_start3A_102] : memref<2x1024x128xf32, #tpu.memory_space<hbm>> -> memref<1x64x128xf32, #tpu.memory_space<hbm>>
      %dma_start3A_104 = tpu.memref_squeeze %dma_start3A_103 : memref<1x64x128xf32, #tpu.memory_space<hbm>> -> memref<64x128xf32, #tpu.memory_space<hbm>>
      %dma_start3A_105 = arith.constant 0 : i32
      %dma_start3A_106 = tpu.memref_slice %arg4[%arg0, %mul3A_98, %dma_start3A_105] : memref<2x1024x128xf32, #tpu.memory_space<hbm>> -> memref<1x64x128xf32, #tpu.memory_space<hbm>>
      %dma_start3A_107 = tpu.memref_squeeze %dma_start3A_106 : memref<1x64x128xf32, #tpu.memory_space<hbm>> -> memref<64x128xf32, #tpu.memory_space<hbm>>
      %dma_start3A_108 = arith.constant 0 : i32
      %dma_start3A_109 = arith.constant 0 : i32
      %dma_start3A_110 = tpu.memref_slice %arg7[%dma_start3A_108, %dma_start3A_109] : memref<72x128xf32, #tpu.memory_space<vmem>> -> memref<64x128xf32, #tpu.memory_space<vmem>>
      tpu.enqueue_dma source(%dma_start3A_110 : memref<64x128xf32, #tpu.memory_space<vmem>>) target(%dma_start3A_107 : memref<64x128xf32, #tpu.memory_space<hbm>>) target_semaphore(%run_scoped3A : memref<!tpu.dma_semaphore, #tpu.memory_space<semaphore_mem>>)
      %dma_wait3A_111 = arith.constant 0 : i32
      %dma_wait3A_112 = arith.constant 0 : i32
      %dma_wait3A_113 = tpu.memref_slice %arg7[%dma_wait3A_111, %dma_wait3A_112] : memref<72x128xf32, #tpu.memory_space<vmem>> -> memref<64x128xf32, #tpu.memory_space<vmem>>
      %dma_wait3A_114 = arith.constant 0 : i32
      %dma_wait3A_115 = tpu.memref_slice %arg4[%arg0, %mul3A_98, %dma_wait3A_114] : memref<2x1024x128xf32, #tpu.memory_space<hbm>> -> memref<1x64x128xf32, #tpu.memory_space<hbm>>
      %dma_wait3A_116 = tpu.memref_squeeze %dma_wait3A_115 : memref<1x64x128xf32, #tpu.memory_space<hbm>> -> memref<64x128xf32, #tpu.memory_space<hbm>>
      %dma_wait3A_117 = arith.constant 0 : i32
      %dma_wait3A_118 = tpu.memref_slice %arg4[%arg0, %mul3A_98, %dma_wait3A_117] : memref<2x1024x128xf32, #tpu.memory_space<hbm>> -> memref<1x64x128xf32, #tpu.memory_space<hbm>>
      %dma_wait3A_119 = tpu.memref_squeeze %dma_wait3A_118 : memref<1x64x128xf32, #tpu.memory_space<hbm>> -> memref<64x128xf32, #tpu.memory_space<hbm>>
      %dma_wait3A_120 = arith.constant 0 : i32
      %dma_wait3A_121 = arith.constant 0 : i32
      %dma_wait3A_122 = tpu.memref_slice %arg7[%dma_wait3A_120, %dma_wait3A_121] : memref<72x128xf32, #tpu.memory_space<vmem>> -> memref<64x128xf32, #tpu.memory_space<vmem>>
      tpu.wait_dma2 semaphore(%run_scoped3A : memref<!tpu.dma_semaphore, #tpu.memory_space<semaphore_mem>>) src(%dma_wait3A_122 : memref<64x128xf32, #tpu.memory_space<vmem>>) dst(%dma_wait3A_119 : memref<64x128xf32, #tpu.memory_space<hbm>>)
      tpu.yield
    }) : () -> ()
    return
  }
}

#map = affine_map<(d0, d1) -> (0, 0)>
#map1 = affine_map<(d0, d1) -> (0, 0, 0)>
module attributes {stable_mosaic.version = 14 : i64} {
  func.func @k(%arg0: i32, %arg1: i32, %arg2: memref<320000x128xf32, #tpu.memory_space<hbm>>, %arg3: memref<32x58x40xi32, #tpu.memory_space<hbm>>, %arg4: memref<32x480x16xi32, #tpu.memory_space<hbm>>, %arg5: memref<2x1024x128xf32, #tpu.memory_space<hbm>>, %arg6: memref<58x40xi32, #tpu.memory_space<vmem>>, %arg7: memref<40x128xf32, #tpu.memory_space<vmem>>, %arg8: memref<40x128xf32, #tpu.memory_space<vmem>>, %arg9: memref<40x128xf32, #tpu.memory_space<vmem>>, %arg10: memref<40x128xf32, #tpu.memory_space<vmem>>, %arg11: memref<40x128xf32, #tpu.memory_space<vmem>>, %arg12: memref<40x128xf32, #tpu.memory_space<vmem>>, %arg13: memref<40x128xf32, #tpu.memory_space<vmem>>, %arg14: memref<40x128xf32, #tpu.memory_space<vmem>>, %arg15: memref<480x16xi32, #tpu.memory_space<vmem>>, %arg16: memref<16x128xf32, #tpu.memory_space<vmem>>, %arg17: memref<64x128xf32, #tpu.memory_space<vmem>>, %arg18: memref<1024x128xf32, #tpu.memory_space<vmem_shared>>, %arg19: memref<!tpu.dma_semaphore, #tpu.memory_space<semaphore_mem>>, %arg20: memref<!tpu.dma_semaphore, #tpu.memory_space<semaphore_mem>>, %arg21: memref<!tpu.dma_semaphore, #tpu.memory_space<semaphore_mem>>, %arg22: memref<!tpu.dma_semaphore, #tpu.memory_space<semaphore_mem>>, %arg23: memref<!tpu.dma_semaphore, #tpu.memory_space<semaphore_mem>>, %arg24: memref<!tpu.dma_semaphore, #tpu.memory_space<semaphore_mem>>, %arg25: memref<!tpu.dma_semaphore, #tpu.memory_space<semaphore_mem>>, %arg26: memref<!tpu.dma_semaphore, #tpu.memory_space<semaphore_mem>>, %arg27: memref<!tpu.dma_semaphore, #tpu.memory_space<semaphore_mem>>, %arg28: memref<!tpu.dma_semaphore, #tpu.memory_space<semaphore_mem>>, %arg29: memref<!tpu.dma_semaphore, #tpu.memory_space<semaphore_mem>>, %arg30: memref<!tpu.dma_semaphore, #tpu.memory_space<semaphore_mem>>, %arg31: memref<!tpu.dma_semaphore, #tpu.memory_space<semaphore_mem>>, %arg32: memref<!tpu.dma_semaphore, #tpu.memory_space<semaphore_mem>>, %arg33: memref<!tpu.dma_semaphore, #tpu.memory_space<semaphore_mem>>, %arg34: memref<!tpu.dma_semaphore, #tpu.memory_space<semaphore_mem>>) attributes {dimension_semantics = [#tpu.dimension_semantics<core_parallel>, #tpu.dimension_semantics<subcore_parallel>], iteration_bounds = array<i64: 2, 16>, scalar_prefetch = 0 : i64, scratch_operands = 29 : i64, tpu.core_type = #tpu.core_type<sc_vector_subcore>, window_params = [{transform_indices = #map}, {transform_indices = #map1}, {transform_indices = #map1}, {transform_indices = #map1}]} {
    %mul3A = arith.constant 16 : i32
    %mul3A_0 = arith.muli %arg0, %mul3A : i32
    %add3A = arith.addi %mul3A_0, %arg1 : i32
    %scan3A = arith.constant 0 : i32
    %scan3A_1 = arith.constant 0 : i32
    %scan3A_2 = arith.constant 64 : i32
    %scan3A_3 = arith.addi %scan3A_1, %scan3A_2 : i32
    %scan3A_4 = arith.constant 1 : i32
    scf.for %scan3A_78 = %scan3A_1 to %scan3A_3 step %scan3A_4  : i32 {
      %broadcast_in_dim3A = arith.constant 0.000000e+00 : f32
      %broadcast_in_dim3A_79 = vector.broadcast %broadcast_in_dim3A : f32 to vector<16xf32>
      %swap3A = arith.index_cast %scan3A_78 : i32 to index
      %swap3A_80 = arith.constant 0 : index
      %swap3A_81 = tpu.vector_load %arg17[%swap3A, %swap3A_80] {strides = array<i32>} : memref<64x128xf32, #tpu.memory_space<vmem>>, vector<1x16xf32>,
      %swap3A_82 = vector.shape_cast %swap3A_81 : vector<1x16xf32> to vector<16xf32>
      %swap3A_83 = vector.shape_cast %broadcast_in_dim3A_79 : vector<16xf32> to vector<1x16xf32>
      tpu.vector_store %arg17[%swap3A, %swap3A_80], %swap3A_83 {strides = array<i32>} : memref<64x128xf32, #tpu.memory_space<vmem>>, vector<1x16xf32>,
      %broadcast_in_dim3A_84 = arith.constant 0.000000e+00 : f32
      %broadcast_in_dim3A_85 = vector.broadcast %broadcast_in_dim3A_84 : f32 to vector<16xf32>
      %swap3A_86 = arith.index_cast %scan3A_78 : i32 to index
      %swap3A_87 = arith.constant 16 : index
      %swap3A_88 = tpu.vector_load %arg17[%swap3A_86, %swap3A_87] {strides = array<i32>} : memref<64x128xf32, #tpu.memory_space<vmem>>, vector<1x16xf32>,
      %swap3A_89 = vector.shape_cast %swap3A_88 : vector<1x16xf32> to vector<16xf32>
      %swap3A_90 = vector.shape_cast %broadcast_in_dim3A_85 : vector<16xf32> to vector<1x16xf32>
      tpu.vector_store %arg17[%swap3A_86, %swap3A_87], %swap3A_90 {strides = array<i32>} : memref<64x128xf32, #tpu.memory_space<vmem>>, vector<1x16xf32>,
      %broadcast_in_dim3A_91 = arith.constant 0.000000e+00 : f32
      %broadcast_in_dim3A_92 = vector.broadcast %broadcast_in_dim3A_91 : f32 to vector<16xf32>
      %swap3A_93 = arith.index_cast %scan3A_78 : i32 to index
      %swap3A_94 = arith.constant 32 : index
      %swap3A_95 = tpu.vector_load %arg17[%swap3A_93, %swap3A_94] {strides = array<i32>} : memref<64x128xf32, #tpu.memory_space<vmem>>, vector<1x16xf32>,
      %swap3A_96 = vector.shape_cast %swap3A_95 : vector<1x16xf32> to vector<16xf32>
      %swap3A_97 = vector.shape_cast %broadcast_in_dim3A_92 : vector<16xf32> to vector<1x16xf32>
      tpu.vector_store %arg17[%swap3A_93, %swap3A_94], %swap3A_97 {strides = array<i32>} : memref<64x128xf32, #tpu.memory_space<vmem>>, vector<1x16xf32>,
      %broadcast_in_dim3A_98 = arith.constant 0.000000e+00 : f32
      %broadcast_in_dim3A_99 = vector.broadcast %broadcast_in_dim3A_98 : f32 to vector<16xf32>
      %swap3A_100 = arith.index_cast %scan3A_78 : i32 to index
      %swap3A_101 = arith.constant 48 : index
      %swap3A_102 = tpu.vector_load %arg17[%swap3A_100, %swap3A_101] {strides = array<i32>} : memref<64x128xf32, #tpu.memory_space<vmem>>, vector<1x16xf32>,
      %swap3A_103 = vector.shape_cast %swap3A_102 : vector<1x16xf32> to vector<16xf32>
      %swap3A_104 = vector.shape_cast %broadcast_in_dim3A_99 : vector<16xf32> to vector<1x16xf32>
      tpu.vector_store %arg17[%swap3A_100, %swap3A_101], %swap3A_104 {strides = array<i32>} : memref<64x128xf32, #tpu.memory_space<vmem>>, vector<1x16xf32>,
      %broadcast_in_dim3A_105 = arith.constant 0.000000e+00 : f32
      %broadcast_in_dim3A_106 = vector.broadcast %broadcast_in_dim3A_105 : f32 to vector<16xf32>
      %swap3A_107 = arith.index_cast %scan3A_78 : i32 to index
      %swap3A_108 = arith.constant 64 : index
      %swap3A_109 = tpu.vector_load %arg17[%swap3A_107, %swap3A_108] {strides = array<i32>} : memref<64x128xf32, #tpu.memory_space<vmem>>, vector<1x16xf32>,
      %swap3A_110 = vector.shape_cast %swap3A_109 : vector<1x16xf32> to vector<16xf32>
      %swap3A_111 = vector.shape_cast %broadcast_in_dim3A_106 : vector<16xf32> to vector<1x16xf32>
      tpu.vector_store %arg17[%swap3A_107, %swap3A_108], %swap3A_111 {strides = array<i32>} : memref<64x128xf32, #tpu.memory_space<vmem>>, vector<1x16xf32>,
      %broadcast_in_dim3A_112 = arith.constant 0.000000e+00 : f32
      %broadcast_in_dim3A_113 = vector.broadcast %broadcast_in_dim3A_112 : f32 to vector<16xf32>
      %swap3A_114 = arith.index_cast %scan3A_78 : i32 to index
      %swap3A_115 = arith.constant 80 : index
      %swap3A_116 = tpu.vector_load %arg17[%swap3A_114, %swap3A_115] {strides = array<i32>} : memref<64x128xf32, #tpu.memory_space<vmem>>, vector<1x16xf32>,
      %swap3A_117 = vector.shape_cast %swap3A_116 : vector<1x16xf32> to vector<16xf32>
      %swap3A_118 = vector.shape_cast %broadcast_in_dim3A_113 : vector<16xf32> to vector<1x16xf32>
      tpu.vector_store %arg17[%swap3A_114, %swap3A_115], %swap3A_118 {strides = array<i32>} : memref<64x128xf32, #tpu.memory_space<vmem>>, vector<1x16xf32>,
      %broadcast_in_dim3A_119 = arith.constant 0.000000e+00 : f32
      %broadcast_in_dim3A_120 = vector.broadcast %broadcast_in_dim3A_119 : f32 to vector<16xf32>
      %swap3A_121 = arith.index_cast %scan3A_78 : i32 to index
      %swap3A_122 = arith.constant 96 : index
      %swap3A_123 = tpu.vector_load %arg17[%swap3A_121, %swap3A_122] {strides = array<i32>} : memref<64x128xf32, #tpu.memory_space<vmem>>, vector<1x16xf32>,
      %swap3A_124 = vector.shape_cast %swap3A_123 : vector<1x16xf32> to vector<16xf32>
      %swap3A_125 = vector.shape_cast %broadcast_in_dim3A_120 : vector<16xf32> to vector<1x16xf32>
      tpu.vector_store %arg17[%swap3A_121, %swap3A_122], %swap3A_125 {strides = array<i32>} : memref<64x128xf32, #tpu.memory_space<vmem>>, vector<1x16xf32>,
      %broadcast_in_dim3A_126 = arith.constant 0.000000e+00 : f32
      %broadcast_in_dim3A_127 = vector.broadcast %broadcast_in_dim3A_126 : f32 to vector<16xf32>
      %swap3A_128 = arith.index_cast %scan3A_78 : i32 to index
      %swap3A_129 = arith.constant 112 : index
      %swap3A_130 = tpu.vector_load %arg17[%swap3A_128, %swap3A_129] {strides = array<i32>} : memref<64x128xf32, #tpu.memory_space<vmem>>, vector<1x16xf32>,
      %swap3A_131 = vector.shape_cast %swap3A_130 : vector<1x16xf32> to vector<16xf32>
      %swap3A_132 = vector.shape_cast %broadcast_in_dim3A_127 : vector<16xf32> to vector<1x16xf32>
      tpu.vector_store %arg17[%swap3A_128, %swap3A_129], %swap3A_132 {strides = array<i32>} : memref<64x128xf32, #tpu.memory_space<vmem>>, vector<1x16xf32>,
    }
    %scan3A_5 = arith.constant 64 : i32
    %mul3A_6 = arith.constant 64 : i32
    %mul3A_7 = arith.muli %arg1, %mul3A_6 : i32
    "tpu.region"() ({
      %run_scoped3A = tpu.sem_alloc : memref<!tpu.dma_semaphore, #tpu.memory_space<semaphore_mem>>
      %dma_start3A_78 = arith.constant 0 : i32
      %dma_start3A_79 = tpu.memref_slice %arg18[%mul3A_7, %dma_start3A_78] : memref<1024x128xf32, #tpu.memory_space<vmem_shared>> -> memref<64x128xf32, #tpu.memory_space<vmem_shared>>
      %dma_start3A_80 = arith.constant 0 : i32
      %dma_start3A_81 = tpu.memref_slice %arg18[%mul3A_7, %dma_start3A_80] : memref<1024x128xf32, #tpu.memory_space<vmem_shared>> -> memref<64x128xf32, #tpu.memory_space<vmem_shared>>
      tpu.enqueue_dma source(%arg17 : memref<64x128xf32, #tpu.memory_space<vmem>>) target(%dma_start3A_81 : memref<64x128xf32, #tpu.memory_space<vmem_shared>>) target_semaphore(%run_scoped3A : memref<!tpu.dma_semaphore, #tpu.memory_space<semaphore_mem>>)
      %dma_wait3A = arith.constant 0 : i32
      %dma_wait3A_82 = tpu.memref_slice %arg18[%mul3A_7, %dma_wait3A] : memref<1024x128xf32, #tpu.memory_space<vmem_shared>> -> memref<64x128xf32, #tpu.memory_space<vmem_shared>>
      %dma_wait3A_83 = arith.constant 0 : i32
      %dma_wait3A_84 = tpu.memref_slice %arg18[%mul3A_7, %dma_wait3A_83] : memref<1024x128xf32, #tpu.memory_space<vmem_shared>> -> memref<64x128xf32, #tpu.memory_space<vmem_shared>>
      tpu.wait_dma2 semaphore(%run_scoped3A : memref<!tpu.dma_semaphore, #tpu.memory_space<semaphore_mem>>) src(%arg17 : memref<64x128xf32, #tpu.memory_space<vmem>>) dst(%dma_wait3A_84 : memref<64x128xf32, #tpu.memory_space<vmem_shared>>)
      tpu.yield
    }) : () -> ()
    "tpu.region"() ({
      %run_scoped3A = tpu.sem_alloc : memref<!tpu.dma_semaphore, #tpu.memory_space<semaphore_mem>>
      %dma_start3A_78 = arith.constant 0 : i32
      %dma_start3A_79 = arith.constant 0 : i32
      %dma_start3A_80 = tpu.memref_slice %arg3[%add3A, %dma_start3A_78, %dma_start3A_79] : memref<32x58x40xi32, #tpu.memory_space<hbm>> -> memref<1x58x40xi32, #tpu.memory_space<hbm>>
      %dma_start3A_81 = tpu.memref_squeeze %dma_start3A_80 : memref<1x58x40xi32, #tpu.memory_space<hbm>> -> memref<58x40xi32, #tpu.memory_space<hbm>>
      %dma_start3A_82 = arith.constant 0 : i32
      %dma_start3A_83 = arith.constant 0 : i32
      %dma_start3A_84 = tpu.memref_slice %arg3[%add3A, %dma_start3A_82, %dma_start3A_83] : memref<32x58x40xi32, #tpu.memory_space<hbm>> -> memref<1x58x40xi32, #tpu.memory_space<hbm>>
      %dma_start3A_85 = tpu.memref_squeeze %dma_start3A_84 : memref<1x58x40xi32, #tpu.memory_space<hbm>> -> memref<58x40xi32, #tpu.memory_space<hbm>>
      tpu.enqueue_dma source(%dma_start3A_85 : memref<58x40xi32, #tpu.memory_space<hbm>>) target(%arg6 : memref<58x40xi32, #tpu.memory_space<vmem>>) target_semaphore(%run_scoped3A : memref<!tpu.dma_semaphore, #tpu.memory_space<semaphore_mem>>)
      %dma_wait3A = arith.constant 0 : i32
      %dma_wait3A_86 = arith.constant 0 : i32
      %dma_wait3A_87 = tpu.memref_slice %arg3[%add3A, %dma_wait3A, %dma_wait3A_86] : memref<32x58x40xi32, #tpu.memory_space<hbm>> -> memref<1x58x40xi32, #tpu.memory_space<hbm>>
      %dma_wait3A_88 = tpu.memref_squeeze %dma_wait3A_87 : memref<1x58x40xi32, #tpu.memory_space<hbm>> -> memref<58x40xi32, #tpu.memory_space<hbm>>
      %dma_wait3A_89 = arith.constant 0 : i32
      %dma_wait3A_90 = arith.constant 0 : i32
      %dma_wait3A_91 = tpu.memref_slice %arg3[%add3A, %dma_wait3A_89, %dma_wait3A_90] : memref<32x58x40xi32, #tpu.memory_space<hbm>> -> memref<1x58x40xi32, #tpu.memory_space<hbm>>
      %dma_wait3A_92 = tpu.memref_squeeze %dma_wait3A_91 : memref<1x58x40xi32, #tpu.memory_space<hbm>> -> memref<58x40xi32, #tpu.memory_space<hbm>>
      tpu.wait_dma2 semaphore(%run_scoped3A : memref<!tpu.dma_semaphore, #tpu.memory_space<semaphore_mem>>) src(%dma_wait3A_92 : memref<58x40xi32, #tpu.memory_space<hbm>>) dst(%arg6 : memref<58x40xi32, #tpu.memory_space<vmem>>)
      tpu.yield
    }) : () -> ()
    "tpu.region"() ({
      %run_scoped3A = tpu.sem_alloc : memref<!tpu.dma_semaphore, #tpu.memory_space<semaphore_mem>>
      %dma_start3A_78 = arith.constant 0 : i32
      %dma_start3A_79 = arith.constant 0 : i32
      %dma_start3A_80 = tpu.memref_slice %arg4[%add3A, %dma_start3A_78, %dma_start3A_79] : memref<32x480x16xi32, #tpu.memory_space<hbm>> -> memref<1x480x16xi32, #tpu.memory_space<hbm>>
      %dma_start3A_81 = tpu.memref_squeeze %dma_start3A_80 : memref<1x480x16xi32, #tpu.memory_space<hbm>> -> memref<480x16xi32, #tpu.memory_space<hbm>>
      %dma_start3A_82 = arith.constant 0 : i32
      %dma_start3A_83 = arith.constant 0 : i32
      %dma_start3A_84 = tpu.memref_slice %arg4[%add3A, %dma_start3A_82, %dma_start3A_83] : memref<32x480x16xi32, #tpu.memory_space<hbm>> -> memref<1x480x16xi32, #tpu.memory_space<hbm>>
      %dma_start3A_85 = tpu.memref_squeeze %dma_start3A_84 : memref<1x480x16xi32, #tpu.memory_space<hbm>> -> memref<480x16xi32, #tpu.memory_space<hbm>>
      tpu.enqueue_dma source(%dma_start3A_85 : memref<480x16xi32, #tpu.memory_space<hbm>>) target(%arg15 : memref<480x16xi32, #tpu.memory_space<vmem>>) target_semaphore(%run_scoped3A : memref<!tpu.dma_semaphore, #tpu.memory_space<semaphore_mem>>)
      %dma_wait3A = arith.constant 0 : i32
      %dma_wait3A_86 = arith.constant 0 : i32
      %dma_wait3A_87 = tpu.memref_slice %arg4[%add3A, %dma_wait3A, %dma_wait3A_86] : memref<32x480x16xi32, #tpu.memory_space<hbm>> -> memref<1x480x16xi32, #tpu.memory_space<hbm>>
      %dma_wait3A_88 = tpu.memref_squeeze %dma_wait3A_87 : memref<1x480x16xi32, #tpu.memory_space<hbm>> -> memref<480x16xi32, #tpu.memory_space<hbm>>
      %dma_wait3A_89 = arith.constant 0 : i32
      %dma_wait3A_90 = arith.constant 0 : i32
      %dma_wait3A_91 = tpu.memref_slice %arg4[%add3A, %dma_wait3A_89, %dma_wait3A_90] : memref<32x480x16xi32, #tpu.memory_space<hbm>> -> memref<1x480x16xi32, #tpu.memory_space<hbm>>
      %dma_wait3A_92 = tpu.memref_squeeze %dma_wait3A_91 : memref<1x480x16xi32, #tpu.memory_space<hbm>> -> memref<480x16xi32, #tpu.memory_space<hbm>>
      tpu.wait_dma2 semaphore(%run_scoped3A : memref<!tpu.dma_semaphore, #tpu.memory_space<semaphore_mem>>) src(%dma_wait3A_92 : memref<480x16xi32, #tpu.memory_space<hbm>>) dst(%arg15 : memref<480x16xi32, #tpu.memory_space<vmem>>)
      tpu.yield
    }) : () -> ()
    %barrier3A = arith.constant 0 : index
    tpu.barrier barrier_id(%barrier3A)
    %mul3A_8 = arith.constant 2320 : i32
    %mul3A_9 = arith.muli %add3A, %mul3A_8 : i32
    %add3A_10 = arith.constant 245760 : i32
    %add3A_11 = arith.addi %add3A_10, %mul3A_9 : i32
    %add3A_12 = arith.constant 0 : i32
    %add3A_13 = arith.addi %add3A_11, %add3A_12 : i32
    %dma_start3A = arith.constant 0 : i32
    %dma_start3A_14 = tpu.memref_slice %arg2[%add3A_13, %dma_start3A] : memref<320000x128xf32, #tpu.memory_space<hbm>> -> memref<40x128xf32, #tpu.memory_space<hbm>>
    %dma_start3A_15 = arith.constant 0 : i32
    %dma_start3A_16 = tpu.memref_slice %arg2[%add3A_13, %dma_start3A_15] : memref<320000x128xf32, #tpu.memory_space<hbm>> -> memref<40x128xf32, #tpu.memory_space<hbm>>
    tpu.enqueue_dma source(%dma_start3A_16 : memref<40x128xf32, #tpu.memory_space<hbm>>) target(%arg7 : memref<40x128xf32, #tpu.memory_space<vmem>>) target_semaphore(%arg19 : memref<!tpu.dma_semaphore, #tpu.memory_space<semaphore_mem>>)
    %add3A_17 = arith.constant 40 : i32
    %add3A_18 = arith.addi %add3A_11, %add3A_17 : i32
    %dma_start3A_19 = arith.constant 0 : i32
    %dma_start3A_20 = tpu.memref_slice %arg2[%add3A_18, %dma_start3A_19] : memref<320000x128xf32, #tpu.memory_space<hbm>> -> memref<40x128xf32, #tpu.memory_space<hbm>>
    %dma_start3A_21 = arith.constant 0 : i32
    %dma_start3A_22 = tpu.memref_slice %arg2[%add3A_18, %dma_start3A_21] : memref<320000x128xf32, #tpu.memory_space<hbm>> -> memref<40x128xf32, #tpu.memory_space<hbm>>
    tpu.enqueue_dma source(%dma_start3A_22 : memref<40x128xf32, #tpu.memory_space<hbm>>) target(%arg8 : memref<40x128xf32, #tpu.memory_space<vmem>>) target_semaphore(%arg20 : memref<!tpu.dma_semaphore, #tpu.memory_space<semaphore_mem>>)
    %add3A_23 = arith.constant 80 : i32
    %add3A_24 = arith.addi %add3A_11, %add3A_23 : i32
    %dma_start3A_25 = arith.constant 0 : i32
    %dma_start3A_26 = tpu.memref_slice %arg2[%add3A_24, %dma_start3A_25] : memref<320000x128xf32, #tpu.memory_space<hbm>> -> memref<40x128xf32, #tpu.memory_space<hbm>>
    %dma_start3A_27 = arith.constant 0 : i32
    %dma_start3A_28 = tpu.memref_slice %arg2[%add3A_24, %dma_start3A_27] : memref<320000x128xf32, #tpu.memory_space<hbm>> -> memref<40x128xf32, #tpu.memory_space<hbm>>
    tpu.enqueue_dma source(%dma_start3A_28 : memref<40x128xf32, #tpu.memory_space<hbm>>) target(%arg9 : memref<40x128xf32, #tpu.memory_space<vmem>>) target_semaphore(%arg21 : memref<!tpu.dma_semaphore, #tpu.memory_space<semaphore_mem>>)
    %add3A_29 = arith.constant 120 : i32
    %add3A_30 = arith.addi %add3A_11, %add3A_29 : i32
    %dma_start3A_31 = arith.constant 0 : i32
    %dma_start3A_32 = tpu.memref_slice %arg2[%add3A_30, %dma_start3A_31] : memref<320000x128xf32, #tpu.memory_space<hbm>> -> memref<40x128xf32, #tpu.memory_space<hbm>>
    %dma_start3A_33 = arith.constant 0 : i32
    %dma_start3A_34 = tpu.memref_slice %arg2[%add3A_30, %dma_start3A_33] : memref<320000x128xf32, #tpu.memory_space<hbm>> -> memref<40x128xf32, #tpu.memory_space<hbm>>
    tpu.enqueue_dma source(%dma_start3A_34 : memref<40x128xf32, #tpu.memory_space<hbm>>) target(%arg10 : memref<40x128xf32, #tpu.memory_space<vmem>>) target_semaphore(%arg22 : memref<!tpu.dma_semaphore, #tpu.memory_space<semaphore_mem>>)
    %add3A_35 = arith.constant 160 : i32
    %add3A_36 = arith.addi %add3A_11, %add3A_35 : i32
    %dma_start3A_37 = arith.constant 0 : i32
    %dma_start3A_38 = tpu.memref_slice %arg2[%add3A_36, %dma_start3A_37] : memref<320000x128xf32, #tpu.memory_space<hbm>> -> memref<40x128xf32, #tpu.memory_space<hbm>>
    %dma_start3A_39 = arith.constant 0 : i32
    %dma_start3A_40 = tpu.memref_slice %arg2[%add3A_36, %dma_start3A_39] : memref<320000x128xf32, #tpu.memory_space<hbm>> -> memref<40x128xf32, #tpu.memory_space<hbm>>
    tpu.enqueue_dma source(%dma_start3A_40 : memref<40x128xf32, #tpu.memory_space<hbm>>) target(%arg11 : memref<40x128xf32, #tpu.memory_space<vmem>>) target_semaphore(%arg23 : memref<!tpu.dma_semaphore, #tpu.memory_space<semaphore_mem>>)
    %add3A_41 = arith.constant 200 : i32
    %add3A_42 = arith.addi %add3A_11, %add3A_41 : i32
    %dma_start3A_43 = arith.constant 0 : i32
    %dma_start3A_44 = tpu.memref_slice %arg2[%add3A_42, %dma_start3A_43] : memref<320000x128xf32, #tpu.memory_space<hbm>> -> memref<40x128xf32, #tpu.memory_space<hbm>>
    %dma_start3A_45 = arith.constant 0 : i32
    %dma_start3A_46 = tpu.memref_slice %arg2[%add3A_42, %dma_start3A_45] : memref<320000x128xf32, #tpu.memory_space<hbm>> -> memref<40x128xf32, #tpu.memory_space<hbm>>
    tpu.enqueue_dma source(%dma_start3A_46 : memref<40x128xf32, #tpu.memory_space<hbm>>) target(%arg12 : memref<40x128xf32, #tpu.memory_space<vmem>>) target_semaphore(%arg24 : memref<!tpu.dma_semaphore, #tpu.memory_space<semaphore_mem>>)
    %add3A_47 = arith.constant 240 : i32
    %add3A_48 = arith.addi %add3A_11, %add3A_47 : i32
    %dma_start3A_49 = arith.constant 0 : i32
    %dma_start3A_50 = tpu.memref_slice %arg2[%add3A_48, %dma_start3A_49] : memref<320000x128xf32, #tpu.memory_space<hbm>> -> memref<40x128xf32, #tpu.memory_space<hbm>>
    %dma_start3A_51 = arith.constant 0 : i32
    %dma_start3A_52 = tpu.memref_slice %arg2[%add3A_48, %dma_start3A_51] : memref<320000x128xf32, #tpu.memory_space<hbm>> -> memref<40x128xf32, #tpu.memory_space<hbm>>
    tpu.enqueue_dma source(%dma_start3A_52 : memref<40x128xf32, #tpu.memory_space<hbm>>) target(%arg13 : memref<40x128xf32, #tpu.memory_space<vmem>>) target_semaphore(%arg25 : memref<!tpu.dma_semaphore, #tpu.memory_space<semaphore_mem>>)
    %add3A_53 = arith.constant 280 : i32
    %add3A_54 = arith.addi %add3A_11, %add3A_53 : i32
    %dma_start3A_55 = arith.constant 0 : i32
    %dma_start3A_56 = tpu.memref_slice %arg2[%add3A_54, %dma_start3A_55] : memref<320000x128xf32, #tpu.memory_space<hbm>> -> memref<40x128xf32, #tpu.memory_space<hbm>>
    %dma_start3A_57 = arith.constant 0 : i32
    %dma_start3A_58 = tpu.memref_slice %arg2[%add3A_54, %dma_start3A_57] : memref<320000x128xf32, #tpu.memory_space<hbm>> -> memref<40x128xf32, #tpu.memory_space<hbm>>
    tpu.enqueue_dma source(%dma_start3A_58 : memref<40x128xf32, #tpu.memory_space<hbm>>) target(%arg14 : memref<40x128xf32, #tpu.memory_space<vmem>>) target_semaphore(%arg26 : memref<!tpu.dma_semaphore, #tpu.memory_space<semaphore_mem>>)
    %scan3A_59 = arith.constant 0 : i32
    %scan3A_60 = arith.constant 0 : i32
    %scan3A_61 = arith.constant 8 : i32
    %scan3A_62 = arith.addi %scan3A_60, %scan3A_61 : i32
    %scan3A_63 = arith.constant 1 : i32
    scf.for %scan3A_78 = %scan3A_60 to %scan3A_62 step %scan3A_63  : i32 {
      %mul3A_79 = arith.constant 8 : i32
      %mul3A_80 = arith.muli %scan3A_78, %mul3A_79 : i32
      %add3A_81 = arith.constant 0 : i32
      %add3A_82 = arith.addi %mul3A_80, %add3A_81 : i32
      %lt3A = arith.constant 58 : i32
      %lt3A_83 = arith.cmpi slt, %add3A_82, %lt3A : i32
      %convert_element_type3A = arith.extui %lt3A_83 : i1 to i32
      %cond3A = arith.constant 0 : i32
      %cond3A_84 = arith.cmpi ne, %convert_element_type3A, %cond3A : i32
      scf.if %cond3A_84 {
        %dma_wait3A = arith.constant 0 : i32
        %dma_wait3A_262 = tpu.memref_slice %arg2[%add3A_11, %dma_wait3A] : memref<320000x128xf32, #tpu.memory_space<hbm>> -> memref<40x128xf32, #tpu.memory_space<hbm>>
        %dma_wait3A_263 = arith.constant 0 : i32
        %dma_wait3A_264 = tpu.memref_slice %arg2[%add3A_11, %dma_wait3A_263] : memref<320000x128xf32, #tpu.memory_space<hbm>> -> memref<40x128xf32, #tpu.memory_space<hbm>>
        tpu.wait_dma2 semaphore(%arg19 : memref<!tpu.dma_semaphore, #tpu.memory_space<semaphore_mem>>) src(%dma_wait3A_264 : memref<40x128xf32, #tpu.memory_space<hbm>>) dst(%arg7 : memref<40x128xf32, #tpu.memory_space<vmem>>)
        %add3A_265 = arith.constant 0 : i32
        %add3A_266 = arith.addi %mul3A_80, %add3A_265 : i32
        %dma_start3A_267 = arith.constant 0 : i32
        %dma_start3A_268 = tpu.memref_slice %arg6[%add3A_266, %dma_start3A_267] : memref<58x40xi32, #tpu.memory_space<vmem>> -> memref<1x40xi32, #tpu.memory_space<vmem>>
        %dma_start3A_269 = tpu.memref_squeeze %dma_start3A_268 : memref<1x40xi32, #tpu.memory_space<vmem>> -> memref<40xi32, #tpu.memory_space<vmem>>
        %dma_start3A_270 = arith.constant 0 : i32
        %dma_start3A_271 = arith.constant 0 : i32
        %dma_start3A_272 = tpu.memref_slice %arg18[%dma_start3A_270, %dma_start3A_271] : memref<1024x128xf32, #tpu.memory_space<vmem_shared>> -> memref<1024x128xf32, #tpu.memory_space<vmem_shared>>
        tpu.enqueue_indirect_dma source(%arg7 : memref<40x128xf32, #tpu.memory_space<vmem>>) target(%dma_start3A_272 : memref<1024x128xf32, #tpu.memory_space<vmem_shared>>) offsets(%dma_start3A_269 : memref<40xi32, #tpu.memory_space<vmem>>) semaphore(%arg27 : memref<!tpu.dma_semaphore, #tpu.memory_space<semaphore_mem>>) {add = true}
      } else {
      }
      %add3A_85 = arith.constant 1 : i32
      %add3A_86 = arith.addi %mul3A_80, %add3A_85 : i32
      %lt3A_87 = arith.constant 58 : i32
      %lt3A_88 = arith.cmpi slt, %add3A_86, %lt3A_87 : i32
      %convert_element_type3A_89 = arith.extui %lt3A_88 : i1 to i32
      %cond3A_90 = arith.constant 0 : i32
      %cond3A_91 = arith.cmpi ne, %convert_element_type3A_89, %cond3A_90 : i32
      scf.if %cond3A_91 {
        %dma_wait3A = arith.constant 0 : i32
        %dma_wait3A_262 = tpu.memref_slice %arg2[%add3A_11, %dma_wait3A] : memref<320000x128xf32, #tpu.memory_space<hbm>> -> memref<40x128xf32, #tpu.memory_space<hbm>>
        %dma_wait3A_263 = arith.constant 0 : i32
        %dma_wait3A_264 = tpu.memref_slice %arg2[%add3A_11, %dma_wait3A_263] : memref<320000x128xf32, #tpu.memory_space<hbm>> -> memref<40x128xf32, #tpu.memory_space<hbm>>
        tpu.wait_dma2 semaphore(%arg20 : memref<!tpu.dma_semaphore, #tpu.memory_space<semaphore_mem>>) src(%dma_wait3A_264 : memref<40x128xf32, #tpu.memory_space<hbm>>) dst(%arg8 : memref<40x128xf32, #tpu.memory_space<vmem>>)
        %add3A_265 = arith.constant 1 : i32
        %add3A_266 = arith.addi %mul3A_80, %add3A_265 : i32
        %dma_start3A_267 = arith.constant 0 : i32
        %dma_start3A_268 = tpu.memref_slice %arg6[%add3A_266, %dma_start3A_267] : memref<58x40xi32, #tpu.memory_space<vmem>> -> memref<1x40xi32, #tpu.memory_space<vmem>>
        %dma_start3A_269 = tpu.memref_squeeze %dma_start3A_268 : memref<1x40xi32, #tpu.memory_space<vmem>> -> memref<40xi32, #tpu.memory_space<vmem>>
        %dma_start3A_270 = arith.constant 0 : i32
        %dma_start3A_271 = arith.constant 0 : i32
        %dma_start3A_272 = tpu.memref_slice %arg18[%dma_start3A_270, %dma_start3A_271] : memref<1024x128xf32, #tpu.memory_space<vmem_shared>> -> memref<1024x128xf32, #tpu.memory_space<vmem_shared>>
        tpu.enqueue_indirect_dma source(%arg8 : memref<40x128xf32, #tpu.memory_space<vmem>>) target(%dma_start3A_272 : memref<1024x128xf32, #tpu.memory_space<vmem_shared>>) offsets(%dma_start3A_269 : memref<40xi32, #tpu.memory_space<vmem>>) semaphore(%arg28 : memref<!tpu.dma_semaphore, #tpu.memory_space<semaphore_mem>>) {add = true}
      } else {
      }
      %add3A_92 = arith.constant 2 : i32
      %add3A_93 = arith.addi %mul3A_80, %add3A_92 : i32
      %lt3A_94 = arith.constant 58 : i32
      %lt3A_95 = arith.cmpi slt, %add3A_93, %lt3A_94 : i32
      %convert_element_type3A_96 = arith.extui %lt3A_95 : i1 to i32
      %cond3A_97 = arith.constant 0 : i32
      %cond3A_98 = arith.cmpi ne, %convert_element_type3A_96, %cond3A_97 : i32
      scf.if %cond3A_98 {
        %dma_wait3A = arith.constant 0 : i32
        %dma_wait3A_262 = tpu.memref_slice %arg2[%add3A_11, %dma_wait3A] : memref<320000x128xf32, #tpu.memory_space<hbm>> -> memref<40x128xf32, #tpu.memory_space<hbm>>
        %dma_wait3A_263 = arith.constant 0 : i32
        %dma_wait3A_264 = tpu.memref_slice %arg2[%add3A_11, %dma_wait3A_263] : memref<320000x128xf32, #tpu.memory_space<hbm>> -> memref<40x128xf32, #tpu.memory_space<hbm>>
        tpu.wait_dma2 semaphore(%arg21 : memref<!tpu.dma_semaphore, #tpu.memory_space<semaphore_mem>>) src(%dma_wait3A_264 : memref<40x128xf32, #tpu.memory_space<hbm>>) dst(%arg9 : memref<40x128xf32, #tpu.memory_space<vmem>>)
        %add3A_265 = arith.constant 2 : i32
        %add3A_266 = arith.addi %mul3A_80, %add3A_265 : i32
        %dma_start3A_267 = arith.constant 0 : i32
        %dma_start3A_268 = tpu.memref_slice %arg6[%add3A_266, %dma_start3A_267] : memref<58x40xi32, #tpu.memory_space<vmem>> -> memref<1x40xi32, #tpu.memory_space<vmem>>
        %dma_start3A_269 = tpu.memref_squeeze %dma_start3A_268 : memref<1x40xi32, #tpu.memory_space<vmem>> -> memref<40xi32, #tpu.memory_space<vmem>>
        %dma_start3A_270 = arith.constant 0 : i32
        %dma_start3A_271 = arith.constant 0 : i32
        %dma_start3A_272 = tpu.memref_slice %arg18[%dma_start3A_270, %dma_start3A_271] : memref<1024x128xf32, #tpu.memory_space<vmem_shared>> -> memref<1024x128xf32, #tpu.memory_space<vmem_shared>>
        tpu.enqueue_indirect_dma source(%arg9 : memref<40x128xf32, #tpu.memory_space<vmem>>) target(%dma_start3A_272 : memref<1024x128xf32, #tpu.memory_space<vmem_shared>>) offsets(%dma_start3A_269 : memref<40xi32, #tpu.memory_space<vmem>>) semaphore(%arg29 : memref<!tpu.dma_semaphore, #tpu.memory_space<semaphore_mem>>) {add = true}
      } else {
      }
      %add3A_99 = arith.constant 3 : i32
      %add3A_100 = arith.addi %mul3A_80, %add3A_99 : i32
      %lt3A_101 = arith.constant 58 : i32
      %lt3A_102 = arith.cmpi slt, %add3A_100, %lt3A_101 : i32
      %convert_element_type3A_103 = arith.extui %lt3A_102 : i1 to i32
      %cond3A_104 = arith.constant 0 : i32
      %cond3A_105 = arith.cmpi ne, %convert_element_type3A_103, %cond3A_104 : i32
      scf.if %cond3A_105 {
        %dma_wait3A = arith.constant 0 : i32
        %dma_wait3A_262 = tpu.memref_slice %arg2[%add3A_11, %dma_wait3A] : memref<320000x128xf32, #tpu.memory_space<hbm>> -> memref<40x128xf32, #tpu.memory_space<hbm>>
        %dma_wait3A_263 = arith.constant 0 : i32
        %dma_wait3A_264 = tpu.memref_slice %arg2[%add3A_11, %dma_wait3A_263] : memref<320000x128xf32, #tpu.memory_space<hbm>> -> memref<40x128xf32, #tpu.memory_space<hbm>>
        tpu.wait_dma2 semaphore(%arg22 : memref<!tpu.dma_semaphore, #tpu.memory_space<semaphore_mem>>) src(%dma_wait3A_264 : memref<40x128xf32, #tpu.memory_space<hbm>>) dst(%arg10 : memref<40x128xf32, #tpu.memory_space<vmem>>)
        %add3A_265 = arith.constant 3 : i32
        %add3A_266 = arith.addi %mul3A_80, %add3A_265 : i32
        %dma_start3A_267 = arith.constant 0 : i32
        %dma_start3A_268 = tpu.memref_slice %arg6[%add3A_266, %dma_start3A_267] : memref<58x40xi32, #tpu.memory_space<vmem>> -> memref<1x40xi32, #tpu.memory_space<vmem>>
        %dma_start3A_269 = tpu.memref_squeeze %dma_start3A_268 : memref<1x40xi32, #tpu.memory_space<vmem>> -> memref<40xi32, #tpu.memory_space<vmem>>
        %dma_start3A_270 = arith.constant 0 : i32
        %dma_start3A_271 = arith.constant 0 : i32
        %dma_start3A_272 = tpu.memref_slice %arg18[%dma_start3A_270, %dma_start3A_271] : memref<1024x128xf32, #tpu.memory_space<vmem_shared>> -> memref<1024x128xf32, #tpu.memory_space<vmem_shared>>
        tpu.enqueue_indirect_dma source(%arg10 : memref<40x128xf32, #tpu.memory_space<vmem>>) target(%dma_start3A_272 : memref<1024x128xf32, #tpu.memory_space<vmem_shared>>) offsets(%dma_start3A_269 : memref<40xi32, #tpu.memory_space<vmem>>) semaphore(%arg30 : memref<!tpu.dma_semaphore, #tpu.memory_space<semaphore_mem>>) {add = true}
      } else {
      }
      %add3A_106 = arith.constant 4 : i32
      %add3A_107 = arith.addi %mul3A_80, %add3A_106 : i32
      %lt3A_108 = arith.constant 58 : i32
      %lt3A_109 = arith.cmpi slt, %add3A_107, %lt3A_108 : i32
      %convert_element_type3A_110 = arith.extui %lt3A_109 : i1 to i32
      %cond3A_111 = arith.constant 0 : i32
      %cond3A_112 = arith.cmpi ne, %convert_element_type3A_110, %cond3A_111 : i32
      scf.if %cond3A_112 {
        %dma_wait3A = arith.constant 0 : i32
        %dma_wait3A_262 = tpu.memref_slice %arg2[%add3A_11, %dma_wait3A] : memref<320000x128xf32, #tpu.memory_space<hbm>> -> memref<40x128xf32, #tpu.memory_space<hbm>>
        %dma_wait3A_263 = arith.constant 0 : i32
        %dma_wait3A_264 = tpu.memref_slice %arg2[%add3A_11, %dma_wait3A_263] : memref<320000x128xf32, #tpu.memory_space<hbm>> -> memref<40x128xf32, #tpu.memory_space<hbm>>
        tpu.wait_dma2 semaphore(%arg23 : memref<!tpu.dma_semaphore, #tpu.memory_space<semaphore_mem>>) src(%dma_wait3A_264 : memref<40x128xf32, #tpu.memory_space<hbm>>) dst(%arg11 : memref<40x128xf32, #tpu.memory_space<vmem>>)
        %add3A_265 = arith.constant 4 : i32
        %add3A_266 = arith.addi %mul3A_80, %add3A_265 : i32
        %dma_start3A_267 = arith.constant 0 : i32
        %dma_start3A_268 = tpu.memref_slice %arg6[%add3A_266, %dma_start3A_267] : memref<58x40xi32, #tpu.memory_space<vmem>> -> memref<1x40xi32, #tpu.memory_space<vmem>>
        %dma_start3A_269 = tpu.memref_squeeze %dma_start3A_268 : memref<1x40xi32, #tpu.memory_space<vmem>> -> memref<40xi32, #tpu.memory_space<vmem>>
        %dma_start3A_270 = arith.constant 0 : i32
        %dma_start3A_271 = arith.constant 0 : i32
        %dma_start3A_272 = tpu.memref_slice %arg18[%dma_start3A_270, %dma_start3A_271] : memref<1024x128xf32, #tpu.memory_space<vmem_shared>> -> memref<1024x128xf32, #tpu.memory_space<vmem_shared>>
        tpu.enqueue_indirect_dma source(%arg11 : memref<40x128xf32, #tpu.memory_space<vmem>>) target(%dma_start3A_272 : memref<1024x128xf32, #tpu.memory_space<vmem_shared>>) offsets(%dma_start3A_269 : memref<40xi32, #tpu.memory_space<vmem>>) semaphore(%arg31 : memref<!tpu.dma_semaphore, #tpu.memory_space<semaphore_mem>>) {add = true}
      } else {
      }
      %add3A_113 = arith.constant 5 : i32
      %add3A_114 = arith.addi %mul3A_80, %add3A_113 : i32
      %lt3A_115 = arith.constant 58 : i32
      %lt3A_116 = arith.cmpi slt, %add3A_114, %lt3A_115 : i32
      %convert_element_type3A_117 = arith.extui %lt3A_116 : i1 to i32
      %cond3A_118 = arith.constant 0 : i32
      %cond3A_119 = arith.cmpi ne, %convert_element_type3A_117, %cond3A_118 : i32
      scf.if %cond3A_119 {
        %dma_wait3A = arith.constant 0 : i32
        %dma_wait3A_262 = tpu.memref_slice %arg2[%add3A_11, %dma_wait3A] : memref<320000x128xf32, #tpu.memory_space<hbm>> -> memref<40x128xf32, #tpu.memory_space<hbm>>
        %dma_wait3A_263 = arith.constant 0 : i32
        %dma_wait3A_264 = tpu.memref_slice %arg2[%add3A_11, %dma_wait3A_263] : memref<320000x128xf32, #tpu.memory_space<hbm>> -> memref<40x128xf32, #tpu.memory_space<hbm>>
        tpu.wait_dma2 semaphore(%arg24 : memref<!tpu.dma_semaphore, #tpu.memory_space<semaphore_mem>>) src(%dma_wait3A_264 : memref<40x128xf32, #tpu.memory_space<hbm>>) dst(%arg12 : memref<40x128xf32, #tpu.memory_space<vmem>>)
        %add3A_265 = arith.constant 5 : i32
        %add3A_266 = arith.addi %mul3A_80, %add3A_265 : i32
        %dma_start3A_267 = arith.constant 0 : i32
        %dma_start3A_268 = tpu.memref_slice %arg6[%add3A_266, %dma_start3A_267] : memref<58x40xi32, #tpu.memory_space<vmem>> -> memref<1x40xi32, #tpu.memory_space<vmem>>
        %dma_start3A_269 = tpu.memref_squeeze %dma_start3A_268 : memref<1x40xi32, #tpu.memory_space<vmem>> -> memref<40xi32, #tpu.memory_space<vmem>>
        %dma_start3A_270 = arith.constant 0 : i32
        %dma_start3A_271 = arith.constant 0 : i32
        %dma_start3A_272 = tpu.memref_slice %arg18[%dma_start3A_270, %dma_start3A_271] : memref<1024x128xf32, #tpu.memory_space<vmem_shared>> -> memref<1024x128xf32, #tpu.memory_space<vmem_shared>>
        tpu.enqueue_indirect_dma source(%arg12 : memref<40x128xf32, #tpu.memory_space<vmem>>) target(%dma_start3A_272 : memref<1024x128xf32, #tpu.memory_space<vmem_shared>>) offsets(%dma_start3A_269 : memref<40xi32, #tpu.memory_space<vmem>>) semaphore(%arg32 : memref<!tpu.dma_semaphore, #tpu.memory_space<semaphore_mem>>) {add = true}
      } else {
      }
      %add3A_120 = arith.constant 6 : i32
      %add3A_121 = arith.addi %mul3A_80, %add3A_120 : i32
      %lt3A_122 = arith.constant 58 : i32
      %lt3A_123 = arith.cmpi slt, %add3A_121, %lt3A_122 : i32
      %convert_element_type3A_124 = arith.extui %lt3A_123 : i1 to i32
      %cond3A_125 = arith.constant 0 : i32
      %cond3A_126 = arith.cmpi ne, %convert_element_type3A_124, %cond3A_125 : i32
      scf.if %cond3A_126 {
        %dma_wait3A = arith.constant 0 : i32
        %dma_wait3A_262 = tpu.memref_slice %arg2[%add3A_11, %dma_wait3A] : memref<320000x128xf32, #tpu.memory_space<hbm>> -> memref<40x128xf32, #tpu.memory_space<hbm>>
        %dma_wait3A_263 = arith.constant 0 : i32
        %dma_wait3A_264 = tpu.memref_slice %arg2[%add3A_11, %dma_wait3A_263] : memref<320000x128xf32, #tpu.memory_space<hbm>> -> memref<40x128xf32, #tpu.memory_space<hbm>>
        tpu.wait_dma2 semaphore(%arg25 : memref<!tpu.dma_semaphore, #tpu.memory_space<semaphore_mem>>) src(%dma_wait3A_264 : memref<40x128xf32, #tpu.memory_space<hbm>>) dst(%arg13 : memref<40x128xf32, #tpu.memory_space<vmem>>)
        %add3A_265 = arith.constant 6 : i32
        %add3A_266 = arith.addi %mul3A_80, %add3A_265 : i32
        %dma_start3A_267 = arith.constant 0 : i32
        %dma_start3A_268 = tpu.memref_slice %arg6[%add3A_266, %dma_start3A_267] : memref<58x40xi32, #tpu.memory_space<vmem>> -> memref<1x40xi32, #tpu.memory_space<vmem>>
        %dma_start3A_269 = tpu.memref_squeeze %dma_start3A_268 : memref<1x40xi32, #tpu.memory_space<vmem>> -> memref<40xi32, #tpu.memory_space<vmem>>
        %dma_start3A_270 = arith.constant 0 : i32
        %dma_start3A_271 = arith.constant 0 : i32
        %dma_start3A_272 = tpu.memref_slice %arg18[%dma_start3A_270, %dma_start3A_271] : memref<1024x128xf32, #tpu.memory_space<vmem_shared>> -> memref<1024x128xf32, #tpu.memory_space<vmem_shared>>
        tpu.enqueue_indirect_dma source(%arg13 : memref<40x128xf32, #tpu.memory_space<vmem>>) target(%dma_start3A_272 : memref<1024x128xf32, #tpu.memory_space<vmem_shared>>) offsets(%dma_start3A_269 : memref<40xi32, #tpu.memory_space<vmem>>) semaphore(%arg33 : memref<!tpu.dma_semaphore, #tpu.memory_space<semaphore_mem>>) {add = true}
      } else {
      }
      %add3A_127 = arith.constant 7 : i32
      %add3A_128 = arith.addi %mul3A_80, %add3A_127 : i32
      %lt3A_129 = arith.constant 58 : i32
      %lt3A_130 = arith.cmpi slt, %add3A_128, %lt3A_129 : i32
      %convert_element_type3A_131 = arith.extui %lt3A_130 : i1 to i32
      %cond3A_132 = arith.constant 0 : i32
      %cond3A_133 = arith.cmpi ne, %convert_element_type3A_131, %cond3A_132 : i32
      scf.if %cond3A_133 {
        %dma_wait3A = arith.constant 0 : i32
        %dma_wait3A_262 = tpu.memref_slice %arg2[%add3A_11, %dma_wait3A] : memref<320000x128xf32, #tpu.memory_space<hbm>> -> memref<40x128xf32, #tpu.memory_space<hbm>>
        %dma_wait3A_263 = arith.constant 0 : i32
        %dma_wait3A_264 = tpu.memref_slice %arg2[%add3A_11, %dma_wait3A_263] : memref<320000x128xf32, #tpu.memory_space<hbm>> -> memref<40x128xf32, #tpu.memory_space<hbm>>
        tpu.wait_dma2 semaphore(%arg26 : memref<!tpu.dma_semaphore, #tpu.memory_space<semaphore_mem>>) src(%dma_wait3A_264 : memref<40x128xf32, #tpu.memory_space<hbm>>) dst(%arg14 : memref<40x128xf32, #tpu.memory_space<vmem>>)
        %add3A_265 = arith.constant 7 : i32
        %add3A_266 = arith.addi %mul3A_80, %add3A_265 : i32
        %dma_start3A_267 = arith.constant 0 : i32
        %dma_start3A_268 = tpu.memref_slice %arg6[%add3A_266, %dma_start3A_267] : memref<58x40xi32, #tpu.memory_space<vmem>> -> memref<1x40xi32, #tpu.memory_space<vmem>>
        %dma_start3A_269 = tpu.memref_squeeze %dma_start3A_268 : memref<1x40xi32, #tpu.memory_space<vmem>> -> memref<40xi32, #tpu.memory_space<vmem>>
        %dma_start3A_270 = arith.constant 0 : i32
        %dma_start3A_271 = arith.constant 0 : i32
        %dma_start3A_272 = tpu.memref_slice %arg18[%dma_start3A_270, %dma_start3A_271] : memref<1024x128xf32, #tpu.memory_space<vmem_shared>> -> memref<1024x128xf32, #tpu.memory_space<vmem_shared>>
        tpu.enqueue_indirect_dma source(%arg14 : memref<40x128xf32, #tpu.memory_space<vmem>>) target(%dma_start3A_272 : memref<1024x128xf32, #tpu.memory_space<vmem_shared>>) offsets(%dma_start3A_269 : memref<40xi32, #tpu.memory_space<vmem>>) semaphore(%arg34 : memref<!tpu.dma_semaphore, #tpu.memory_space<semaphore_mem>>) {add = true}
      } else {
      }
      %add3A_134 = arith.constant 0 : i32
      %add3A_135 = arith.addi %mul3A_80, %add3A_134 : i32
      %lt3A_136 = arith.constant 58 : i32
      %lt3A_137 = arith.cmpi slt, %add3A_135, %lt3A_136 : i32
      %convert_element_type3A_138 = arith.extui %lt3A_137 : i1 to i32
      %cond3A_139 = arith.constant 0 : i32
      %cond3A_140 = arith.cmpi ne, %convert_element_type3A_138, %cond3A_139 : i32
      scf.if %cond3A_140 {
        %add3A_262 = arith.constant 0 : i32
        %add3A_263 = arith.addi %mul3A_80, %add3A_262 : i32
        %dma_wait3A = arith.constant 0 : i32
        %dma_wait3A_264 = tpu.memref_slice %arg6[%add3A_263, %dma_wait3A] : memref<58x40xi32, #tpu.memory_space<vmem>> -> memref<1x40xi32, #tpu.memory_space<vmem>>
        %dma_wait3A_265 = tpu.memref_squeeze %dma_wait3A_264 : memref<1x40xi32, #tpu.memory_space<vmem>> -> memref<40xi32, #tpu.memory_space<vmem>>
        %dma_wait3A_266 = arith.constant 0 : i32
        %dma_wait3A_267 = arith.constant 0 : i32
        %dma_wait3A_268 = tpu.memref_slice %arg18[%dma_wait3A_266, %dma_wait3A_267] : memref<1024x128xf32, #tpu.memory_space<vmem_shared>> -> memref<1024x128xf32, #tpu.memory_space<vmem_shared>>
        tpu.wait_indirect_dma semaphore(%arg27 : memref<!tpu.dma_semaphore, #tpu.memory_space<semaphore_mem>>) src(%arg7 : memref<40x128xf32, #tpu.memory_space<vmem>>) dst(%dma_wait3A_268 : memref<1024x128xf32, #tpu.memory_space<vmem_shared>>)
      } else {
      }
      %add3A_141 = arith.constant 8 : i32
      %add3A_142 = arith.addi %mul3A_80, %add3A_141 : i32
      %add3A_143 = arith.constant 0 : i32
      %add3A_144 = arith.addi %add3A_142, %add3A_143 : i32
      %lt3A_145 = arith.constant 58 : i32
      %lt3A_146 = arith.cmpi slt, %add3A_144, %lt3A_145 : i32
      %convert_element_type3A_147 = arith.extui %lt3A_146 : i1 to i32
      %cond3A_148 = arith.constant 0 : i32
      %cond3A_149 = arith.cmpi ne, %convert_element_type3A_147, %cond3A_148 : i32
      scf.if %cond3A_149 {
        %mul3A_262 = arith.constant 40 : i32
        %mul3A_263 = arith.muli %add3A_144, %mul3A_262 : i32
        %add3A_264 = arith.addi %add3A_11, %mul3A_263 : i32
        %dma_start3A_265 = arith.constant 0 : i32
        %dma_start3A_266 = tpu.memref_slice %arg2[%add3A_264, %dma_start3A_265] : memref<320000x128xf32, #tpu.memory_space<hbm>> -> memref<40x128xf32, #tpu.memory_space<hbm>>
        %dma_start3A_267 = arith.constant 0 : i32
        %dma_start3A_268 = tpu.memref_slice %arg2[%add3A_264, %dma_start3A_267] : memref<320000x128xf32, #tpu.memory_space<hbm>> -> memref<40x128xf32, #tpu.memory_space<hbm>>
        tpu.enqueue_dma source(%dma_start3A_268 : memref<40x128xf32, #tpu.memory_space<hbm>>) target(%arg7 : memref<40x128xf32, #tpu.memory_space<vmem>>) target_semaphore(%arg19 : memref<!tpu.dma_semaphore, #tpu.memory_space<semaphore_mem>>)
      } else {
      }
      %add3A_150 = arith.constant 1 : i32
      %add3A_151 = arith.addi %mul3A_80, %add3A_150 : i32
      %lt3A_152 = arith.constant 58 : i32
      %lt3A_153 = arith.cmpi slt, %add3A_151, %lt3A_152 : i32
      %convert_element_type3A_154 = arith.extui %lt3A_153 : i1 to i32
      %cond3A_155 = arith.constant 0 : i32
      %cond3A_156 = arith.cmpi ne, %convert_element_type3A_154, %cond3A_155 : i32
      scf.if %cond3A_156 {
        %add3A_262 = arith.constant 1 : i32
        %add3A_263 = arith.addi %mul3A_80, %add3A_262 : i32
        %dma_wait3A = arith.constant 0 : i32
        %dma_wait3A_264 = tpu.memref_slice %arg6[%add3A_263, %dma_wait3A] : memref<58x40xi32, #tpu.memory_space<vmem>> -> memref<1x40xi32, #tpu.memory_space<vmem>>
        %dma_wait3A_265 = tpu.memref_squeeze %dma_wait3A_264 : memref<1x40xi32, #tpu.memory_space<vmem>> -> memref<40xi32, #tpu.memory_space<vmem>>
        %dma_wait3A_266 = arith.constant 0 : i32
        %dma_wait3A_267 = arith.constant 0 : i32
        %dma_wait3A_268 = tpu.memref_slice %arg18[%dma_wait3A_266, %dma_wait3A_267] : memref<1024x128xf32, #tpu.memory_space<vmem_shared>> -> memref<1024x128xf32, #tpu.memory_space<vmem_shared>>
        tpu.wait_indirect_dma semaphore(%arg28 : memref<!tpu.dma_semaphore, #tpu.memory_space<semaphore_mem>>) src(%arg8 : memref<40x128xf32, #tpu.memory_space<vmem>>) dst(%dma_wait3A_268 : memref<1024x128xf32, #tpu.memory_space<vmem_shared>>)
      } else {
      }
      %add3A_157 = arith.constant 8 : i32
      %add3A_158 = arith.addi %mul3A_80, %add3A_157 : i32
      %add3A_159 = arith.constant 1 : i32
      %add3A_160 = arith.addi %add3A_158, %add3A_159 : i32
      %lt3A_161 = arith.constant 58 : i32
      %lt3A_162 = arith.cmpi slt, %add3A_160, %lt3A_161 : i32
      %convert_element_type3A_163 = arith.extui %lt3A_162 : i1 to i32
      %cond3A_164 = arith.constant 0 : i32
      %cond3A_165 = arith.cmpi ne, %convert_element_type3A_163, %cond3A_164 : i32
      scf.if %cond3A_165 {
        %mul3A_262 = arith.constant 40 : i32
        %mul3A_263 = arith.muli %add3A_160, %mul3A_262 : i32
        %add3A_264 = arith.addi %add3A_11, %mul3A_263 : i32
        %dma_start3A_265 = arith.constant 0 : i32
        %dma_start3A_266 = tpu.memref_slice %arg2[%add3A_264, %dma_start3A_265] : memref<320000x128xf32, #tpu.memory_space<hbm>> -> memref<40x128xf32, #tpu.memory_space<hbm>>
        %dma_start3A_267 = arith.constant 0 : i32
        %dma_start3A_268 = tpu.memref_slice %arg2[%add3A_264, %dma_start3A_267] : memref<320000x128xf32, #tpu.memory_space<hbm>> -> memref<40x128xf32, #tpu.memory_space<hbm>>
        tpu.enqueue_dma source(%dma_start3A_268 : memref<40x128xf32, #tpu.memory_space<hbm>>) target(%arg8 : memref<40x128xf32, #tpu.memory_space<vmem>>) target_semaphore(%arg20 : memref<!tpu.dma_semaphore, #tpu.memory_space<semaphore_mem>>)
      } else {
      }
      %add3A_166 = arith.constant 2 : i32
      %add3A_167 = arith.addi %mul3A_80, %add3A_166 : i32
      %lt3A_168 = arith.constant 58 : i32
      %lt3A_169 = arith.cmpi slt, %add3A_167, %lt3A_168 : i32
      %convert_element_type3A_170 = arith.extui %lt3A_169 : i1 to i32
      %cond3A_171 = arith.constant 0 : i32
      %cond3A_172 = arith.cmpi ne, %convert_element_type3A_170, %cond3A_171 : i32
      scf.if %cond3A_172 {
        %add3A_262 = arith.constant 2 : i32
        %add3A_263 = arith.addi %mul3A_80, %add3A_262 : i32
        %dma_wait3A = arith.constant 0 : i32
        %dma_wait3A_264 = tpu.memref_slice %arg6[%add3A_263, %dma_wait3A] : memref<58x40xi32, #tpu.memory_space<vmem>> -> memref<1x40xi32, #tpu.memory_space<vmem>>
        %dma_wait3A_265 = tpu.memref_squeeze %dma_wait3A_264 : memref<1x40xi32, #tpu.memory_space<vmem>> -> memref<40xi32, #tpu.memory_space<vmem>>
        %dma_wait3A_266 = arith.constant 0 : i32
        %dma_wait3A_267 = arith.constant 0 : i32
        %dma_wait3A_268 = tpu.memref_slice %arg18[%dma_wait3A_266, %dma_wait3A_267] : memref<1024x128xf32, #tpu.memory_space<vmem_shared>> -> memref<1024x128xf32, #tpu.memory_space<vmem_shared>>
        tpu.wait_indirect_dma semaphore(%arg29 : memref<!tpu.dma_semaphore, #tpu.memory_space<semaphore_mem>>) src(%arg9 : memref<40x128xf32, #tpu.memory_space<vmem>>) dst(%dma_wait3A_268 : memref<1024x128xf32, #tpu.memory_space<vmem_shared>>)
      } else {
      }
      %add3A_173 = arith.constant 8 : i32
      %add3A_174 = arith.addi %mul3A_80, %add3A_173 : i32
      %add3A_175 = arith.constant 2 : i32
      %add3A_176 = arith.addi %add3A_174, %add3A_175 : i32
      %lt3A_177 = arith.constant 58 : i32
      %lt3A_178 = arith.cmpi slt, %add3A_176, %lt3A_177 : i32
      %convert_element_type3A_179 = arith.extui %lt3A_178 : i1 to i32
      %cond3A_180 = arith.constant 0 : i32
      %cond3A_181 = arith.cmpi ne, %convert_element_type3A_179, %cond3A_180 : i32
      scf.if %cond3A_181 {
        %mul3A_262 = arith.constant 40 : i32
        %mul3A_263 = arith.muli %add3A_176, %mul3A_262 : i32
        %add3A_264 = arith.addi %add3A_11, %mul3A_263 : i32
        %dma_start3A_265 = arith.constant 0 : i32
        %dma_start3A_266 = tpu.memref_slice %arg2[%add3A_264, %dma_start3A_265] : memref<320000x128xf32, #tpu.memory_space<hbm>> -> memref<40x128xf32, #tpu.memory_space<hbm>>
        %dma_start3A_267 = arith.constant 0 : i32
        %dma_start3A_268 = tpu.memref_slice %arg2[%add3A_264, %dma_start3A_267] : memref<320000x128xf32, #tpu.memory_space<hbm>> -> memref<40x128xf32, #tpu.memory_space<hbm>>
        tpu.enqueue_dma source(%dma_start3A_268 : memref<40x128xf32, #tpu.memory_space<hbm>>) target(%arg9 : memref<40x128xf32, #tpu.memory_space<vmem>>) target_semaphore(%arg21 : memref<!tpu.dma_semaphore, #tpu.memory_space<semaphore_mem>>)
      } else {
      }
      %add3A_182 = arith.constant 3 : i32
      %add3A_183 = arith.addi %mul3A_80, %add3A_182 : i32
      %lt3A_184 = arith.constant 58 : i32
      %lt3A_185 = arith.cmpi slt, %add3A_183, %lt3A_184 : i32
      %convert_element_type3A_186 = arith.extui %lt3A_185 : i1 to i32
      %cond3A_187 = arith.constant 0 : i32
      %cond3A_188 = arith.cmpi ne, %convert_element_type3A_186, %cond3A_187 : i32
      scf.if %cond3A_188 {
        %add3A_262 = arith.constant 3 : i32
        %add3A_263 = arith.addi %mul3A_80, %add3A_262 : i32
        %dma_wait3A = arith.constant 0 : i32
        %dma_wait3A_264 = tpu.memref_slice %arg6[%add3A_263, %dma_wait3A] : memref<58x40xi32, #tpu.memory_space<vmem>> -> memref<1x40xi32, #tpu.memory_space<vmem>>
        %dma_wait3A_265 = tpu.memref_squeeze %dma_wait3A_264 : memref<1x40xi32, #tpu.memory_space<vmem>> -> memref<40xi32, #tpu.memory_space<vmem>>
        %dma_wait3A_266 = arith.constant 0 : i32
        %dma_wait3A_267 = arith.constant 0 : i32
        %dma_wait3A_268 = tpu.memref_slice %arg18[%dma_wait3A_266, %dma_wait3A_267] : memref<1024x128xf32, #tpu.memory_space<vmem_shared>> -> memref<1024x128xf32, #tpu.memory_space<vmem_shared>>
        tpu.wait_indirect_dma semaphore(%arg30 : memref<!tpu.dma_semaphore, #tpu.memory_space<semaphore_mem>>) src(%arg10 : memref<40x128xf32, #tpu.memory_space<vmem>>) dst(%dma_wait3A_268 : memref<1024x128xf32, #tpu.memory_space<vmem_shared>>)
      } else {
      }
      %add3A_189 = arith.constant 8 : i32
      %add3A_190 = arith.addi %mul3A_80, %add3A_189 : i32
      %add3A_191 = arith.constant 3 : i32
      %add3A_192 = arith.addi %add3A_190, %add3A_191 : i32
      %lt3A_193 = arith.constant 58 : i32
      %lt3A_194 = arith.cmpi slt, %add3A_192, %lt3A_193 : i32
      %convert_element_type3A_195 = arith.extui %lt3A_194 : i1 to i32
      %cond3A_196 = arith.constant 0 : i32
      %cond3A_197 = arith.cmpi ne, %convert_element_type3A_195, %cond3A_196 : i32
      scf.if %cond3A_197 {
        %mul3A_262 = arith.constant 40 : i32
        %mul3A_263 = arith.muli %add3A_192, %mul3A_262 : i32
        %add3A_264 = arith.addi %add3A_11, %mul3A_263 : i32
        %dma_start3A_265 = arith.constant 0 : i32
        %dma_start3A_266 = tpu.memref_slice %arg2[%add3A_264, %dma_start3A_265] : memref<320000x128xf32, #tpu.memory_space<hbm>> -> memref<40x128xf32, #tpu.memory_space<hbm>>
        %dma_start3A_267 = arith.constant 0 : i32
        %dma_start3A_268 = tpu.memref_slice %arg2[%add3A_264, %dma_start3A_267] : memref<320000x128xf32, #tpu.memory_space<hbm>> -> memref<40x128xf32, #tpu.memory_space<hbm>>
        tpu.enqueue_dma source(%dma_start3A_268 : memref<40x128xf32, #tpu.memory_space<hbm>>) target(%arg10 : memref<40x128xf32, #tpu.memory_space<vmem>>) target_semaphore(%arg22 : memref<!tpu.dma_semaphore, #tpu.memory_space<semaphore_mem>>)
      } else {
      }
      %add3A_198 = arith.constant 4 : i32
      %add3A_199 = arith.addi %mul3A_80, %add3A_198 : i32
      %lt3A_200 = arith.constant 58 : i32
      %lt3A_201 = arith.cmpi slt, %add3A_199, %lt3A_200 : i32
      %convert_element_type3A_202 = arith.extui %lt3A_201 : i1 to i32
      %cond3A_203 = arith.constant 0 : i32
      %cond3A_204 = arith.cmpi ne, %convert_element_type3A_202, %cond3A_203 : i32
      scf.if %cond3A_204 {
        %add3A_262 = arith.constant 4 : i32
        %add3A_263 = arith.addi %mul3A_80, %add3A_262 : i32
        %dma_wait3A = arith.constant 0 : i32
        %dma_wait3A_264 = tpu.memref_slice %arg6[%add3A_263, %dma_wait3A] : memref<58x40xi32, #tpu.memory_space<vmem>> -> memref<1x40xi32, #tpu.memory_space<vmem>>
        %dma_wait3A_265 = tpu.memref_squeeze %dma_wait3A_264 : memref<1x40xi32, #tpu.memory_space<vmem>> -> memref<40xi32, #tpu.memory_space<vmem>>
        %dma_wait3A_266 = arith.constant 0 : i32
        %dma_wait3A_267 = arith.constant 0 : i32
        %dma_wait3A_268 = tpu.memref_slice %arg18[%dma_wait3A_266, %dma_wait3A_267] : memref<1024x128xf32, #tpu.memory_space<vmem_shared>> -> memref<1024x128xf32, #tpu.memory_space<vmem_shared>>
        tpu.wait_indirect_dma semaphore(%arg31 : memref<!tpu.dma_semaphore, #tpu.memory_space<semaphore_mem>>) src(%arg11 : memref<40x128xf32, #tpu.memory_space<vmem>>) dst(%dma_wait3A_268 : memref<1024x128xf32, #tpu.memory_space<vmem_shared>>)
      } else {
      }
      %add3A_205 = arith.constant 8 : i32
      %add3A_206 = arith.addi %mul3A_80, %add3A_205 : i32
      %add3A_207 = arith.constant 4 : i32
      %add3A_208 = arith.addi %add3A_206, %add3A_207 : i32
      %lt3A_209 = arith.constant 58 : i32
      %lt3A_210 = arith.cmpi slt, %add3A_208, %lt3A_209 : i32
      %convert_element_type3A_211 = arith.extui %lt3A_210 : i1 to i32
      %cond3A_212 = arith.constant 0 : i32
      %cond3A_213 = arith.cmpi ne, %convert_element_type3A_211, %cond3A_212 : i32
      scf.if %cond3A_213 {
        %mul3A_262 = arith.constant 40 : i32
        %mul3A_263 = arith.muli %add3A_208, %mul3A_262 : i32
        %add3A_264 = arith.addi %add3A_11, %mul3A_263 : i32
        %dma_start3A_265 = arith.constant 0 : i32
        %dma_start3A_266 = tpu.memref_slice %arg2[%add3A_264, %dma_start3A_265] : memref<320000x128xf32, #tpu.memory_space<hbm>> -> memref<40x128xf32, #tpu.memory_space<hbm>>
        %dma_start3A_267 = arith.constant 0 : i32
        %dma_start3A_268 = tpu.memref_slice %arg2[%add3A_264, %dma_start3A_267] : memref<320000x128xf32, #tpu.memory_space<hbm>> -> memref<40x128xf32, #tpu.memory_space<hbm>>
        tpu.enqueue_dma source(%dma_start3A_268 : memref<40x128xf32, #tpu.memory_space<hbm>>) target(%arg11 : memref<40x128xf32, #tpu.memory_space<vmem>>) target_semaphore(%arg23 : memref<!tpu.dma_semaphore, #tpu.memory_space<semaphore_mem>>)
      } else {
      }
      %add3A_214 = arith.constant 5 : i32
      %add3A_215 = arith.addi %mul3A_80, %add3A_214 : i32
      %lt3A_216 = arith.constant 58 : i32
      %lt3A_217 = arith.cmpi slt, %add3A_215, %lt3A_216 : i32
      %convert_element_type3A_218 = arith.extui %lt3A_217 : i1 to i32
      %cond3A_219 = arith.constant 0 : i32
      %cond3A_220 = arith.cmpi ne, %convert_element_type3A_218, %cond3A_219 : i32
      scf.if %cond3A_220 {
        %add3A_262 = arith.constant 5 : i32
        %add3A_263 = arith.addi %mul3A_80, %add3A_262 : i32
        %dma_wait3A = arith.constant 0 : i32
        %dma_wait3A_264 = tpu.memref_slice %arg6[%add3A_263, %dma_wait3A] : memref<58x40xi32, #tpu.memory_space<vmem>> -> memref<1x40xi32, #tpu.memory_space<vmem>>
        %dma_wait3A_265 = tpu.memref_squeeze %dma_wait3A_264 : memref<1x40xi32, #tpu.memory_space<vmem>> -> memref<40xi32, #tpu.memory_space<vmem>>
        %dma_wait3A_266 = arith.constant 0 : i32
        %dma_wait3A_267 = arith.constant 0 : i32
        %dma_wait3A_268 = tpu.memref_slice %arg18[%dma_wait3A_266, %dma_wait3A_267] : memref<1024x128xf32, #tpu.memory_space<vmem_shared>> -> memref<1024x128xf32, #tpu.memory_space<vmem_shared>>
        tpu.wait_indirect_dma semaphore(%arg32 : memref<!tpu.dma_semaphore, #tpu.memory_space<semaphore_mem>>) src(%arg12 : memref<40x128xf32, #tpu.memory_space<vmem>>) dst(%dma_wait3A_268 : memref<1024x128xf32, #tpu.memory_space<vmem_shared>>)
      } else {
      }
      %add3A_221 = arith.constant 8 : i32
      %add3A_222 = arith.addi %mul3A_80, %add3A_221 : i32
      %add3A_223 = arith.constant 5 : i32
      %add3A_224 = arith.addi %add3A_222, %add3A_223 : i32
      %lt3A_225 = arith.constant 58 : i32
      %lt3A_226 = arith.cmpi slt, %add3A_224, %lt3A_225 : i32
      %convert_element_type3A_227 = arith.extui %lt3A_226 : i1 to i32
      %cond3A_228 = arith.constant 0 : i32
      %cond3A_229 = arith.cmpi ne, %convert_element_type3A_227, %cond3A_228 : i32
      scf.if %cond3A_229 {
        %mul3A_262 = arith.constant 40 : i32
        %mul3A_263 = arith.muli %add3A_224, %mul3A_262 : i32
        %add3A_264 = arith.addi %add3A_11, %mul3A_263 : i32
        %dma_start3A_265 = arith.constant 0 : i32
        %dma_start3A_266 = tpu.memref_slice %arg2[%add3A_264, %dma_start3A_265] : memref<320000x128xf32, #tpu.memory_space<hbm>> -> memref<40x128xf32, #tpu.memory_space<hbm>>
        %dma_start3A_267 = arith.constant 0 : i32
        %dma_start3A_268 = tpu.memref_slice %arg2[%add3A_264, %dma_start3A_267] : memref<320000x128xf32, #tpu.memory_space<hbm>> -> memref<40x128xf32, #tpu.memory_space<hbm>>
        tpu.enqueue_dma source(%dma_start3A_268 : memref<40x128xf32, #tpu.memory_space<hbm>>) target(%arg12 : memref<40x128xf32, #tpu.memory_space<vmem>>) target_semaphore(%arg24 : memref<!tpu.dma_semaphore, #tpu.memory_space<semaphore_mem>>)
      } else {
      }
      %add3A_230 = arith.constant 6 : i32
      %add3A_231 = arith.addi %mul3A_80, %add3A_230 : i32
      %lt3A_232 = arith.constant 58 : i32
      %lt3A_233 = arith.cmpi slt, %add3A_231, %lt3A_232 : i32
      %convert_element_type3A_234 = arith.extui %lt3A_233 : i1 to i32
      %cond3A_235 = arith.constant 0 : i32
      %cond3A_236 = arith.cmpi ne, %convert_element_type3A_234, %cond3A_235 : i32
      scf.if %cond3A_236 {
        %add3A_262 = arith.constant 6 : i32
        %add3A_263 = arith.addi %mul3A_80, %add3A_262 : i32
        %dma_wait3A = arith.constant 0 : i32
        %dma_wait3A_264 = tpu.memref_slice %arg6[%add3A_263, %dma_wait3A] : memref<58x40xi32, #tpu.memory_space<vmem>> -> memref<1x40xi32, #tpu.memory_space<vmem>>
        %dma_wait3A_265 = tpu.memref_squeeze %dma_wait3A_264 : memref<1x40xi32, #tpu.memory_space<vmem>> -> memref<40xi32, #tpu.memory_space<vmem>>
        %dma_wait3A_266 = arith.constant 0 : i32
        %dma_wait3A_267 = arith.constant 0 : i32
        %dma_wait3A_268 = tpu.memref_slice %arg18[%dma_wait3A_266, %dma_wait3A_267] : memref<1024x128xf32, #tpu.memory_space<vmem_shared>> -> memref<1024x128xf32, #tpu.memory_space<vmem_shared>>
        tpu.wait_indirect_dma semaphore(%arg33 : memref<!tpu.dma_semaphore, #tpu.memory_space<semaphore_mem>>) src(%arg13 : memref<40x128xf32, #tpu.memory_space<vmem>>) dst(%dma_wait3A_268 : memref<1024x128xf32, #tpu.memory_space<vmem_shared>>)
      } else {
      }
      %add3A_237 = arith.constant 8 : i32
      %add3A_238 = arith.addi %mul3A_80, %add3A_237 : i32
      %add3A_239 = arith.constant 6 : i32
      %add3A_240 = arith.addi %add3A_238, %add3A_239 : i32
      %lt3A_241 = arith.constant 58 : i32
      %lt3A_242 = arith.cmpi slt, %add3A_240, %lt3A_241 : i32
      %convert_element_type3A_243 = arith.extui %lt3A_242 : i1 to i32
      %cond3A_244 = arith.constant 0 : i32
      %cond3A_245 = arith.cmpi ne, %convert_element_type3A_243, %cond3A_244 : i32
      scf.if %cond3A_245 {
        %mul3A_262 = arith.constant 40 : i32
        %mul3A_263 = arith.muli %add3A_240, %mul3A_262 : i32
        %add3A_264 = arith.addi %add3A_11, %mul3A_263 : i32
        %dma_start3A_265 = arith.constant 0 : i32
        %dma_start3A_266 = tpu.memref_slice %arg2[%add3A_264, %dma_start3A_265] : memref<320000x128xf32, #tpu.memory_space<hbm>> -> memref<40x128xf32, #tpu.memory_space<hbm>>
        %dma_start3A_267 = arith.constant 0 : i32
        %dma_start3A_268 = tpu.memref_slice %arg2[%add3A_264, %dma_start3A_267] : memref<320000x128xf32, #tpu.memory_space<hbm>> -> memref<40x128xf32, #tpu.memory_space<hbm>>
        tpu.enqueue_dma source(%dma_start3A_268 : memref<40x128xf32, #tpu.memory_space<hbm>>) target(%arg13 : memref<40x128xf32, #tpu.memory_space<vmem>>) target_semaphore(%arg25 : memref<!tpu.dma_semaphore, #tpu.memory_space<semaphore_mem>>)
      } else {
      }
      %add3A_246 = arith.constant 7 : i32
      %add3A_247 = arith.addi %mul3A_80, %add3A_246 : i32
      %lt3A_248 = arith.constant 58 : i32
      %lt3A_249 = arith.cmpi slt, %add3A_247, %lt3A_248 : i32
      %convert_element_type3A_250 = arith.extui %lt3A_249 : i1 to i32
      %cond3A_251 = arith.constant 0 : i32
      %cond3A_252 = arith.cmpi ne, %convert_element_type3A_250, %cond3A_251 : i32
      scf.if %cond3A_252 {
        %add3A_262 = arith.constant 7 : i32
        %add3A_263 = arith.addi %mul3A_80, %add3A_262 : i32
        %dma_wait3A = arith.constant 0 : i32
        %dma_wait3A_264 = tpu.memref_slice %arg6[%add3A_263, %dma_wait3A] : memref<58x40xi32, #tpu.memory_space<vmem>> -> memref<1x40xi32, #tpu.memory_space<vmem>>
        %dma_wait3A_265 = tpu.memref_squeeze %dma_wait3A_264 : memref<1x40xi32, #tpu.memory_space<vmem>> -> memref<40xi32, #tpu.memory_space<vmem>>
        %dma_wait3A_266 = arith.constant 0 : i32
        %dma_wait3A_267 = arith.constant 0 : i32
        %dma_wait3A_268 = tpu.memref_slice %arg18[%dma_wait3A_266, %dma_wait3A_267] : memref<1024x128xf32, #tpu.memory_space<vmem_shared>> -> memref<1024x128xf32, #tpu.memory_space<vmem_shared>>
        tpu.wait_indirect_dma semaphore(%arg34 : memref<!tpu.dma_semaphore, #tpu.memory_space<semaphore_mem>>) src(%arg14 : memref<40x128xf32, #tpu.memory_space<vmem>>) dst(%dma_wait3A_268 : memref<1024x128xf32, #tpu.memory_space<vmem_shared>>)
      } else {
      }
      %add3A_253 = arith.constant 8 : i32
      %add3A_254 = arith.addi %mul3A_80, %add3A_253 : i32
      %add3A_255 = arith.constant 7 : i32
      %add3A_256 = arith.addi %add3A_254, %add3A_255 : i32
      %lt3A_257 = arith.constant 58 : i32
      %lt3A_258 = arith.cmpi slt, %add3A_256, %lt3A_257 : i32
      %convert_element_type3A_259 = arith.extui %lt3A_258 : i1 to i32
      %cond3A_260 = arith.constant 0 : i32
      %cond3A_261 = arith.cmpi ne, %convert_element_type3A_259, %cond3A_260 : i32
      scf.if %cond3A_261 {
        %mul3A_262 = arith.constant 40 : i32
        %mul3A_263 = arith.muli %add3A_256, %mul3A_262 : i32
        %add3A_264 = arith.addi %add3A_11, %mul3A_263 : i32
        %dma_start3A_265 = arith.constant 0 : i32
        %dma_start3A_266 = tpu.memref_slice %arg2[%add3A_264, %dma_start3A_265] : memref<320000x128xf32, #tpu.memory_space<hbm>> -> memref<40x128xf32, #tpu.memory_space<hbm>>
        %dma_start3A_267 = arith.constant 0 : i32
        %dma_start3A_268 = tpu.memref_slice %arg2[%add3A_264, %dma_start3A_267] : memref<320000x128xf32, #tpu.memory_space<hbm>> -> memref<40x128xf32, #tpu.memory_space<hbm>>
        tpu.enqueue_dma source(%dma_start3A_268 : memref<40x128xf32, #tpu.memory_space<hbm>>) target(%arg14 : memref<40x128xf32, #tpu.memory_space<vmem>>) target_semaphore(%arg26 : memref<!tpu.dma_semaphore, #tpu.memory_space<semaphore_mem>>)
      } else {
      }
    }
    %scan3A_64 = arith.constant 8 : i32
    %mul3A_65 = arith.constant 480 : i32
    %mul3A_66 = arith.muli %add3A, %mul3A_65 : i32
    %scan3A_67 = arith.constant 0 : i32
    %scan3A_68 = arith.constant 0 : i32
    %scan3A_69 = arith.constant 480 : i32
    %scan3A_70 = arith.addi %scan3A_68, %scan3A_69 : i32
    %scan3A_71 = arith.constant 1 : i32
    scf.for %scan3A_78 = %scan3A_68 to %scan3A_70 step %scan3A_71  : i32 {
      %get3A = arith.index_cast %scan3A_78 : i32 to index
      %get3A_79 = arith.constant 0 : index
      %get3A_80 = tpu.vector_load %arg15[%get3A, %get3A_79] {strides = array<i32>} : memref<480x16xi32, #tpu.memory_space<vmem>>, vector<1x16xi32>,
      %get3A_81 = vector.shape_cast %get3A_80 : vector<1x16xi32> to vector<16xi32>
      %slice3A = vector.extract_strided_slice %get3A_81 {offsets = [0], sizes = [1], strides = [1]} : vector<16xi32> to vector<1xi32>
      %squeeze3A = vector.extract %slice3A[0] : i32 from vector<1xi32>
      %slice3A_82 = vector.extract_strided_slice %get3A_81 {offsets = [15], sizes = [1], strides = [1]} : vector<16xi32> to vector<1xi32>
      %squeeze3A_83 = vector.extract %slice3A_82[0] : i32 from vector<1xi32>
      %ne3A = arith.cmpi ne, %squeeze3A, %squeeze3A_83 : i32
      %convert_element_type3A = arith.extui %ne3A : i1 to i32
      %cond3A = arith.constant 0 : i32
      %cond3A_84 = arith.cmpi ne, %convert_element_type3A, %cond3A : i32
      scf.if %cond3A_84 {
        %add3A_85 = arith.addi %mul3A_66, %scan3A_78 : i32
        %mul3A_86 = arith.constant 16 : i32
        %mul3A_87 = arith.muli %add3A_85, %mul3A_86 : i32
        "tpu.region"() ({
          %run_scoped3A = tpu.sem_alloc : memref<!tpu.dma_semaphore, #tpu.memory_space<semaphore_mem>>
          %dma_start3A_88 = arith.constant 0 : i32
          %dma_start3A_89 = tpu.memref_slice %arg2[%mul3A_87, %dma_start3A_88] : memref<320000x128xf32, #tpu.memory_space<hbm>> -> memref<16x128xf32, #tpu.memory_space<hbm>>
          %dma_start3A_90 = arith.constant 0 : i32
          %dma_start3A_91 = tpu.memref_slice %arg2[%mul3A_87, %dma_start3A_90] : memref<320000x128xf32, #tpu.memory_space<hbm>> -> memref<16x128xf32, #tpu.memory_space<hbm>>
          tpu.enqueue_dma source(%dma_start3A_91 : memref<16x128xf32, #tpu.memory_space<hbm>>) target(%arg16 : memref<16x128xf32, #tpu.memory_space<vmem>>) target_semaphore(%run_scoped3A : memref<!tpu.dma_semaphore, #tpu.memory_space<semaphore_mem>>)
          %dma_wait3A = arith.constant 0 : i32
          %dma_wait3A_92 = tpu.memref_slice %arg2[%mul3A_87, %dma_wait3A] : memref<320000x128xf32, #tpu.memory_space<hbm>> -> memref<16x128xf32, #tpu.memory_space<hbm>>
          %dma_wait3A_93 = arith.constant 0 : i32
          %dma_wait3A_94 = tpu.memref_slice %arg2[%mul3A_87, %dma_wait3A_93] : memref<320000x128xf32, #tpu.memory_space<hbm>> -> memref<16x128xf32, #tpu.memory_space<hbm>>
          tpu.wait_dma2 semaphore(%run_scoped3A : memref<!tpu.dma_semaphore, #tpu.memory_space<semaphore_mem>>) src(%dma_wait3A_94 : memref<16x128xf32, #tpu.memory_space<hbm>>) dst(%arg16 : memref<16x128xf32, #tpu.memory_space<vmem>>)
          tpu.yield
        }) : () -> ()
        "tpu.region"() ({
          %run_scoped3A = tpu.sem_alloc : memref<!tpu.dma_semaphore, #tpu.memory_space<semaphore_mem>>
          %dma_start3A_88 = arith.constant 0 : i32
          %dma_start3A_89 = tpu.memref_slice %arg15[%scan3A_78, %dma_start3A_88] : memref<480x16xi32, #tpu.memory_space<vmem>> -> memref<1x16xi32, #tpu.memory_space<vmem>>
          %dma_start3A_90 = tpu.memref_squeeze %dma_start3A_89 : memref<1x16xi32, #tpu.memory_space<vmem>> -> memref<16xi32, #tpu.memory_space<vmem>>
          %dma_start3A_91 = arith.constant 0 : i32
          %dma_start3A_92 = arith.constant 0 : i32
          %dma_start3A_93 = tpu.memref_slice %arg18[%dma_start3A_91, %dma_start3A_92] : memref<1024x128xf32, #tpu.memory_space<vmem_shared>> -> memref<1024x128xf32, #tpu.memory_space<vmem_shared>>
          tpu.enqueue_indirect_dma source(%arg16 : memref<16x128xf32, #tpu.memory_space<vmem>>) target(%dma_start3A_93 : memref<1024x128xf32, #tpu.memory_space<vmem_shared>>) offsets(%dma_start3A_90 : memref<16xi32, #tpu.memory_space<vmem>>) semaphore(%run_scoped3A : memref<!tpu.dma_semaphore, #tpu.memory_space<semaphore_mem>>) {add = true}
          %dma_wait3A = arith.constant 0 : i32
          %dma_wait3A_94 = tpu.memref_slice %arg15[%scan3A_78, %dma_wait3A] : memref<480x16xi32, #tpu.memory_space<vmem>> -> memref<1x16xi32, #tpu.memory_space<vmem>>
          %dma_wait3A_95 = tpu.memref_squeeze %dma_wait3A_94 : memref<1x16xi32, #tpu.memory_space<vmem>> -> memref<16xi32, #tpu.memory_space<vmem>>
          %dma_wait3A_96 = arith.constant 0 : i32
          %dma_wait3A_97 = arith.constant 0 : i32
          %dma_wait3A_98 = tpu.memref_slice %arg18[%dma_wait3A_96, %dma_wait3A_97] : memref<1024x128xf32, #tpu.memory_space<vmem_shared>> -> memref<1024x128xf32, #tpu.memory_space<vmem_shared>>
          tpu.wait_indirect_dma semaphore(%run_scoped3A : memref<!tpu.dma_semaphore, #tpu.memory_space<semaphore_mem>>) src(%arg16 : memref<16x128xf32, #tpu.memory_space<vmem>>) dst(%dma_wait3A_98 : memref<1024x128xf32, #tpu.memory_space<vmem_shared>>)
          tpu.yield
        }) : () -> ()
      } else {
      }
    }
    %scan3A_72 = arith.constant 480 : i32
    %barrier3A_73 = arith.constant 0 : index
    tpu.barrier barrier_id(%barrier3A_73)
    %mul3A_74 = arith.constant 64 : i32
    %mul3A_75 = arith.muli %arg1, %mul3A_74 : i32
    "tpu.region"() ({
      %run_scoped3A = tpu.sem_alloc : memref<!tpu.dma_semaphore, #tpu.memory_space<semaphore_mem>>
      %dma_start3A_78 = arith.constant 0 : i32
      %dma_start3A_79 = tpu.memref_slice %arg18[%mul3A_75, %dma_start3A_78] : memref<1024x128xf32, #tpu.memory_space<vmem_shared>> -> memref<64x128xf32, #tpu.memory_space<vmem_shared>>
      %dma_start3A_80 = arith.constant 0 : i32
      %dma_start3A_81 = tpu.memref_slice %arg18[%mul3A_75, %dma_start3A_80] : memref<1024x128xf32, #tpu.memory_space<vmem_shared>> -> memref<64x128xf32, #tpu.memory_space<vmem_shared>>
      tpu.enqueue_dma source(%dma_start3A_81 : memref<64x128xf32, #tpu.memory_space<vmem_shared>>) target(%arg17 : memref<64x128xf32, #tpu.memory_space<vmem>>) target_semaphore(%run_scoped3A : memref<!tpu.dma_semaphore, #tpu.memory_space<semaphore_mem>>)
      %dma_wait3A = arith.constant 0 : i32
      %dma_wait3A_82 = tpu.memref_slice %arg18[%mul3A_75, %dma_wait3A] : memref<1024x128xf32, #tpu.memory_space<vmem_shared>> -> memref<64x128xf32, #tpu.memory_space<vmem_shared>>
      %dma_wait3A_83 = arith.constant 0 : i32
      %dma_wait3A_84 = tpu.memref_slice %arg18[%mul3A_75, %dma_wait3A_83] : memref<1024x128xf32, #tpu.memory_space<vmem_shared>> -> memref<64x128xf32, #tpu.memory_space<vmem_shared>>
      tpu.wait_dma2 semaphore(%run_scoped3A : memref<!tpu.dma_semaphore, #tpu.memory_space<semaphore_mem>>) src(%dma_wait3A_84 : memref<64x128xf32, #tpu.memory_space<vmem_shared>>) dst(%arg17 : memref<64x128xf32, #tpu.memory_space<vmem>>)
      tpu.yield
    }) : () -> ()
    %mul3A_76 = arith.constant 64 : i32
    %mul3A_77 = arith.muli %arg1, %mul3A_76 : i32
    "tpu.region"() ({
      %run_scoped3A = tpu.sem_alloc : memref<!tpu.dma_semaphore, #tpu.memory_space<semaphore_mem>>
      %dma_start3A_78 = arith.constant 0 : i32
      %dma_start3A_79 = tpu.memref_slice %arg5[%arg0, %mul3A_77, %dma_start3A_78] : memref<2x1024x128xf32, #tpu.memory_space<hbm>> -> memref<1x64x128xf32, #tpu.memory_space<hbm>>
      %dma_start3A_80 = tpu.memref_squeeze %dma_start3A_79 : memref<1x64x128xf32, #tpu.memory_space<hbm>> -> memref<64x128xf32, #tpu.memory_space<hbm>>
      %dma_start3A_81 = arith.constant 0 : i32
      %dma_start3A_82 = tpu.memref_slice %arg5[%arg0, %mul3A_77, %dma_start3A_81] : memref<2x1024x128xf32, #tpu.memory_space<hbm>> -> memref<1x64x128xf32, #tpu.memory_space<hbm>>
      %dma_start3A_83 = tpu.memref_squeeze %dma_start3A_82 : memref<1x64x128xf32, #tpu.memory_space<hbm>> -> memref<64x128xf32, #tpu.memory_space<hbm>>
      tpu.enqueue_dma source(%arg17 : memref<64x128xf32, #tpu.memory_space<vmem>>) target(%dma_start3A_83 : memref<64x128xf32, #tpu.memory_space<hbm>>) target_semaphore(%run_scoped3A : memref<!tpu.dma_semaphore, #tpu.memory_space<semaphore_mem>>)
      %dma_wait3A = arith.constant 0 : i32
      %dma_wait3A_84 = tpu.memref_slice %arg5[%arg0, %mul3A_77, %dma_wait3A] : memref<2x1024x128xf32, #tpu.memory_space<hbm>> -> memref<1x64x128xf32, #tpu.memory_space<hbm>>
      %dma_wait3A_85 = tpu.memref_squeeze %dma_wait3A_84 : memref<1x64x128xf32, #tpu.memory_space<hbm>> -> memref<64x128xf32, #tpu.memory_space<hbm>>
      %dma_wait3A_86 = arith.constant 0 : i32
      %dma_wait3A_87 = tpu.memref_slice %arg5[%arg0, %mul3A_77, %dma_wait3A_86] : memref<2x1024x128xf32, #tpu.memory_space<hbm>> -> memref<1x64x128xf32, #tpu.memory_space<hbm>>
      %dma_wait3A_88 = tpu.memref_squeeze %dma_wait3A_87 : memref<1x64x128xf32, #tpu.memory_space<hbm>> -> memref<64x128xf32, #tpu.memory_space<hbm>>
      tpu.wait_dma2 semaphore(%run_scoped3A : memref<!tpu.dma_semaphore, #tpu.memory_space<semaphore_mem>>) src(%arg17 : memref<64x128xf32, #tpu.memory_space<vmem>>) dst(%dma_wait3A_88 : memref<64x128xf32, #tpu.memory_space<hbm>>)
      tpu.yield
    }) : () -> ()
    return
  }
}

module attributes {stable_mosaic.version = 14 : i64} {
  func.func @body(%arg0: i32, %arg1: memref<12800x128xf32, #tpu.memory_space<vmem>>, %arg2: memref<800x128xf32, #tpu.memory_space<vmem>>) attributes {dimension_semantics = [#tpu.dimension_semantics<arbitrary>], iteration_bounds = array<i64: 16>, scalar_prefetch = 0 : i64, scratch_operands = 0 : i64, tpu.core_type = #tpu.core_type<tc>, window_params = [{transform_indices = @transform_0, window_bounds = array<i64: 12800, 128>}, {transform_indices = @transform_1, window_bounds = array<i64: 800, 128>}]} {
    %get3A = arith.constant 0 : index
    %get3A_0 = arith.constant 0 : index
    %get3A_1 = vector.load %arg1[%get3A, %get3A_0] : memref<12800x128xf32, #tpu.memory_space<vmem>>, vector<12800x128xf32>
    %reshape3A = vector.shape_cast %get3A_1 : vector<12800x128xf32> to vector<800x16x128xf32>
    %reduce_sum3A = arith.constant dense<0.000000e+00> : vector<800x128xf32>
    %reduce_sum3A_2 = vector.multi_reduction <add>, %reshape3A, %reduce_sum3A [1] : vector<800x16x128xf32> to vector<800x128xf32>
    %swap3A = arith.constant 0 : index
    %swap3A_3 = arith.constant 0 : index
    %swap3A_4 = vector.load %arg2[%swap3A, %swap3A_3] : memref<800x128xf32, #tpu.memory_space<vmem>>, vector<800x128xf32>
    tpu.vector_store %arg2[%swap3A, %swap3A_3], %reduce_sum3A_2 {strides = array<i32>} : memref<800x128xf32, #tpu.memory_space<vmem>>, vector<800x128xf32>,
    return
  }
  func.func @transform_0(%arg0: i32) -> (i32, i32) {
    %c0_i32 = arith.constant 0 : i32
    %c0_i32_0 = arith.constant 0 : i32
    return %arg0, %c0_i32 : i32, i32
  }
  func.func @transform_1(%arg0: i32) -> (i32, i32) {
    %c0_i32 = arith.constant 0 : i32
    %c0_i32_0 = arith.constant 0 : i32
    return %arg0, %c0_i32 : i32, i32
  }
}

module attributes {stable_mosaic.version = 14 : i64} {
  func.func @add_body(%arg0: memref<1024x128xf32, #tpu.memory_space<vmem>>, %arg1: memref<1024x128xf32, #tpu.memory_space<vmem>>, %arg2: memref<1024x128xf32, #tpu.memory_space<vmem>>, %arg3: memref<1024x128xf32, #tpu.memory_space<vmem>>, %arg4: memref<1024x128xf32, #tpu.memory_space<vmem>>) attributes {dimension_semantics = [], scalar_prefetch = 0 : i64, scratch_operands = 0 : i64, tpu.core_type = #tpu.core_type<tc>} {
    %get3A = arith.constant 0 : index
    %get3A_0 = arith.constant 0 : index
    %get3A_1 = vector.load %arg0[%get3A, %get3A_0] : memref<1024x128xf32, #tpu.memory_space<vmem>>, vector<1024x128xf32>
    %get3A_2 = arith.constant 0 : index
    %get3A_3 = arith.constant 0 : index
    %get3A_4 = vector.load %arg1[%get3A_2, %get3A_3] : memref<1024x128xf32, #tpu.memory_space<vmem>>, vector<1024x128xf32>
    %add3A = arith.addf %get3A_1, %get3A_4 : vector<1024x128xf32>
    %get3A_5 = arith.constant 0 : index
    %get3A_6 = arith.constant 0 : index
    %get3A_7 = vector.load %arg2[%get3A_5, %get3A_6] : memref<1024x128xf32, #tpu.memory_space<vmem>>, vector<1024x128xf32>
    %add3A_8 = arith.addf %add3A, %get3A_7 : vector<1024x128xf32>
    %get3A_9 = arith.constant 0 : index
    %get3A_10 = arith.constant 0 : index
    %get3A_11 = vector.load %arg3[%get3A_9, %get3A_10] : memref<1024x128xf32, #tpu.memory_space<vmem>>, vector<1024x128xf32>
    %add3A_12 = arith.addf %add3A_8, %get3A_11 : vector<1024x128xf32>
    %swap3A = arith.constant 0 : index
    %swap3A_13 = arith.constant 0 : index
    %swap3A_14 = vector.load %arg4[%swap3A, %swap3A_13] : memref<1024x128xf32, #tpu.memory_space<vmem>>, vector<1024x128xf32>
    tpu.vector_store %arg4[%swap3A, %swap3A_13], %add3A_12 {strides = array<i32>} : memref<1024x128xf32, #tpu.memory_space<vmem>>, vector<1024x128xf32>,
    return
  }
}

</mosaic_0001>

<sc_bundles>
// kernel: kernel.6.cloned.1.call-start
scs
__scs_entry_jumppad:
0x0: {  	(pc) =	sbr.rel $0x88, $3  }
0x1: {  	(tag) =	ssettag $0x0;
	lr =	simm.s32 $0x1  }
0x2: {  	[smem:$0x3F9F] =	sst lr;
	_ =	strace $0xD0000000  }
0x3: {  	_ = 	snop  }
0x4: {  	_ = 	snop  }
0x5: {  	_ = 	snop  }
0x6: {  	_ = 	snop  }
0x7: {  	_ = 	snop  }
__scs_overlays_trampoline_lowered:
0x8: {  	[smem:$0x3FAE] =	sst s0  }
0x9: {  	[smem:$0x3FAF] =	sst s1  }
0xa: {  	[smem:$0x3FB0] =	sst s2  }
0xb: {  	[smem:$0x3FB1] =	sst s3  }
0xc: {  	[smem:$0x3FB2] =	sst s4  }
0xd: {  	[smem:$0x3FB3] =	sst s5  }
0xe: {  	[smem:$0x3FB4] =	sst s6  }
0xf: {  	[smem:$0x3FB5] =	sst s7  }
0x10: {  	[smem:$0x3FB6] =	sst s8  }
0x11: {  	[smem:$0x3FB7] =	sst s9;
	s0 =	simm.s32 @!p0 $0x0  }
0x12: {  	s1 =	sld [smem:$0x3F9D];
	s0 =	simm.s32 @p0 $0x1  }
0x13: {  	[smem:$0x3FB8] =	sst s0;
	s0 =	simm.s32 @!p1 $0x0  }
0x14: {  	s2 =	sld [smem:$0x3F9C];
	s0 =	simm.s32 @p1 $0x1  }
0x15: {  	[smem:$0x3FB9] =	sst s0;
	s0 =	simm.s32 @!p2 $0x0  }
0x16: {  	s3 =	sld [smem:$0x3FDB];
	s0 =	simm.s32 @p2 $0x1  }
0x17: {  	s4 =	simm.s32 $0x1BF5;
	[smem:$0x3FBB] =	sst s0  }
0x18: {  	s0 =	sld [smem:$0x3F9E];
	_ =	swait.ge [sflag:s4], $0x0  }
0x19: {  	s7 =	sld [smem:$0x3F9F]  }
0x1a: {  	s8 =	sadd.s32 $0xFFFFE003, lr  }
0x1b: {  	s9 =	sadd.s32 $0xFFFFFEF7, lr;
	s5 =	simm.s32 $0xFFFFFFFF;
	p2 =	slt.u32 s8, $0xFFFFF086  }
0x1c: {  	p1 =	slt.u32 s9, $0xF7A;
	s5 =	simm.s32 @!p2 $0x0  }
0x1d: {  	s5 =	simm.s32 @p1 $0x1;
	p0 =	seq.s32 s7, s2  }
0x1e: {  	s7 =	smul.u32 @!p0 $0xF7A, s2;
	p2 =	seq.s32 @!p0 s5, $0x0  }
0x1f: {  	s9 =	smul.u32 $0xF7A, s1;
	s8 =	simm.s32 @!p0 $0x1BF5;
	p2 =	por !p2, p0  }
0x20: {  	[sflag:s8] =	ssyncset.s32 @!p0 $0xFFFFF086;
	s6 =	sadd.s32 @!p0 s3, s7;
	s7 =	simm.s32 @!p0 $0x108  }
0x21: {  	s3 =	sadd.s32 s3, s9;
	s6 =	sadd.s32 @!p0 $0x88, s6;
	s7 =	simm.s32 @p2 $0x1082  }
0x22: {  	[simem:s7], [sflag:s8] =	dma.local @!p0 [hbm:s6], $0xF7A  }
0x23: {  	s9 =	sor.u32 $0xD0000000, s2;
	s6 =	simm.s32 $0x108;
	_ =	swait.ge @!p0 [sflag:s8], $0x0  }
0x24: {  	s3 =	sadd.s32 $0x88, s3;
	s6 =	simm.s32 @!p1 $0x1082;
	[sflag:s4] =	ssyncset.s32 $0xFFFFF086  }
0x25: {  	[simem:s6], [sflag:s4] =	dma.local [hbm:s3], $0xF7A  }
0x26: {  	[smem:$0x3F9F] =	sst s1;
	(tag) =	ssettag s2;
	_ =	strace s9  }
0x27: {  	s1 =	sld [smem:$0x3FAF]  }
0x28: {  	s2 =	sld [smem:$0x3FB0]  }
0x29: {  	s4 =	sld [smem:$0x3FB2]  }
0x2a: {  	p0 =	seq.s32 s5, $0x0;
	s5 =	sld [smem:$0x3FB3]  }
0x2b: {  	s6 =	sld [smem:$0x3FB4]  }
0x2c: {  	s7 =	sld [smem:$0x3FB5]  }
0x2d: {  	s3 =	simm.s32 $0x108;
	s8 =	sld [smem:$0x3FB6]  }
0x2e: {  	s3 =	simm.s32 @!p0 $0x1082;
	s9 =	sld [smem:$0x3FB7]  }
0x2f: {  	lr =	sadd.s32 s0, s3;
	s0 =	sld [smem:$0x3FAE]  }
0x30: {  	s3 =	sld [smem:$0x3FB1]  }
0x31: {  	[smem:$0x3FBA] =	sst s10  }
0x32: {  	s10 =	sld [smem:$0x3FB8];
	_ =	sdelay $0x3  }
0x33: {  	p0 =	seq.s32 s10, $0x1;
	s10 =	sld [smem:$0x3FBA];
	_ =	sdelay $0x3  }
0x34: {  	[smem:$0x3FBA] =	sst s10  }
0x35: {  	s10 =	sld [smem:$0x3FB9];
	_ =	sdelay $0x3  }
0x36: {  	p1 =	seq.s32 s10, $0x1;
	s10 =	sld [smem:$0x3FBA];
	_ =	sdelay $0x3  }
0x37: {  	[smem:$0x3FBA] =	sst s10  }
0x38: {  	s10 =	sld [smem:$0x3FBB]  }
0x39: {  	_ = 	snop;
	(pc) =	sbr.ind lr, $3  }
0x3a: {  	_ = 	snop  }
0x3b: {  	_ = 	snop  }
0x3c: {  	p2 =	seq.s32 s10, $0x1;
	s10 =	sld [smem:$0x3FBA]  }
0x3d: {  	_ =	shalt  }
0x3e: {  	_ =	shalt  }
0x3f: {  	_ =	shalt  }
0x40: {  	_ =	shalt  }
0x41: {  	_ =	shalt  }
0x42: {  	_ =	shalt  }
0x43: {  	_ =	shalt  }
0x44: {  	_ =	shalt  }
0x45: {  	_ =	shalt  }
0x46: {  	_ =	shalt  }
0x47: {  	_ =	shalt  }
0x48: {  	_ =	shalt  }
0x49: {  	_ =	shalt  }
0x4a: {  	_ =	shalt  }
0x4b: {  	_ =	shalt  }
0x4c: {  	_ =	shalt  }
0x4d: {  	_ =	shalt  }
0x4e: {  	_ =	shalt  }
0x4f: {  	_ =	shalt  }
0x50: {  	_ =	shalt  }
0x51: {  	_ =	shalt  }
0x52: {  	_ =	shalt  }
0x53: {  	_ =	shalt  }
0x54: {  	_ =	shalt  }
0x55: {  	_ =	shalt  }
0x56: {  	_ =	shalt  }
0x57: {  	_ =	shalt  }
0x58: {  	_ =	shalt  }
0x59: {  	_ =	shalt  }
0x5a: {  	_ =	shalt  }
0x5b: {  	_ =	shalt  }
0x5c: {  	_ =	shalt  }
0x5d: {  	_ =	shalt  }
0x5e: {  	_ =	shalt  }
0x5f: {  	_ =	shalt  }
0x60: {  	_ =	shalt  }
0x61: {  	_ =	shalt  }
0x62: {  	_ =	shalt  }
0x63: {  	_ =	shalt  }
0x64: {  	_ =	shalt  }
0x65: {  	_ =	shalt  }
0x66: {  	_ =	shalt  }
0x67: {  	_ =	shalt  }
0x68: {  	_ =	shalt  }
0x69: {  	_ =	shalt  }
0x6a: {  	_ =	shalt  }
0x6b: {  	_ =	shalt  }
0x6c: {  	_ =	shalt  }
0x6d: {  	_ =	shalt  }
0x6e: {  	_ =	shalt  }
0x6f: {  	_ =	shalt  }
0x70: {  	_ =	shalt  }
0x71: {  	_ =	shalt  }
0x72: {  	_ =	shalt  }
0x73: {  	_ =	shalt  }
0x74: {  	_ =	shalt  }
0x75: {  	_ =	shalt  }
0x76: {  	_ =	shalt  }
0x77: {  	_ =	shalt  }
0x78: {  	_ =	shalt  }
0x79: {  	_ =	shalt  }
0x7a: {  	_ =	shalt  }
0x7b: {  	_ =	shalt  }
0x7c: {  	_ =	shalt  }
0x7d: {  	_ =	shalt  }
0x7e: {  	_ =	shalt  }
0x7f: {  	_ =	shalt  }
0x80: {  	_ =	shalt  }
0x81: {  	_ =	shalt  }
0x82: {  	_ =	shalt  }
0x83: {  	_ =	shalt  }
0x84: {  	_ =	shalt  }
0x85: {  	_ =	shalt  }
0x86: {  	_ =	shalt  }
0x87: {  	_ =	shalt  }
.Lfunc_end0:
.L_simem_size_0:
called_computation_lowered:
.L_overlay_start_0:
0x88: {  	s2 =	sld [smem:$0x3FD9]  }
0x89: {  	s3 =	sld [smem:$0x3FFE];
	_ =	sdelay $0x1  }
0x8a: {  	s1 =	srdreg.scid  }
0x8b: {  	s0 =	sand.u32 $0x1, s1  }
0x8c: {  	s17 =	sshll.u32 s0, $0xA;
	s2 =	sadd.s32 s3, s2  }
0x8d: {  	s2 =	sadd.s32 s2, s17  }
0x8e: {  	[smem:$0x3FC6] =	sst s2  }
0x8f: {  	_ = 	snop  }
0x90: {  	s2 =	sld [smem:$0x3FC9];
	(tm) =	ssettm $0x1  }
0x91: {  	s18 =	sld [smem:$0x3FFB];
	_ =	sdelay $0x3  }
0x92: {  	_ =	strace s18  }
0x93: {  	s3 =	sld [smem:$0x3FFC];
	_ =	sdelay $0x3  }
0x94: {  	_ =	strace s3  }
0x95: {  	s3 =	sld [smem:$0x3FFD];
	_ =	sdelay $0x3  }
0x96: {  	_ =	strace s3  }
0x97: {  	_ =	strace $0x8FFFFFFF  }
0x98: {  	s19 =	sld [smem:$0x3FDB];
	_ =	sdelay $0x1  }
0x99: {  	s4 =	simm.s32 $_scs_section_size  }
0x9a: {  	s5 =	simm.s32 $_size__tile_overlayer_lowered;
	s6 =	simm.s32 $_tile_overlayer_lowered  }
0x9b: {  	s22 =	simm.s32 $0x1BFF;
	s21 =	sshll.u32 s6, $0x1;
	s3 =	sadd.s32 s4, s19  }
0x9c: {  	s7 =	simm.s32 $0x0;
	s20 =	sshll.u32 s5, $0x1;
	s5 =	sadd.s32 s21, s3  }
0x9d: {  	[timem:s7], [sflag:s22] =	dma.local [hbm:s5], s20  }
0x9e: {  	_ =	swait.ge [sflag:s22], s20  }
0x9f: {  	s4 =	ssub.s32 $0x0, s20;
	[sflag:s22] =	ssyncset.done $0x0  }
0xa0: {  	[sflag:s22] =	ssyncadd.s32 s4;
	_ =	sdelay $0x1  }
0xa1: {  	s23 =	simm.s32 $0x1B8B  }
0xa2: {  	_ =	swait.ge [sflag:s23], $0x1  }
0xa3: {  	[sflag:s23] =	ssyncset.done $0x0  }
0xa4: {  	s25 =	simm.s32 $0x1B8E;
	s24 =	sld [smem:$0x3FFE];
	[sflag:s23] =	ssyncadd.s32 $0xFFFFFFFF  }
0xa5: {  	s26 =	simm.s32 $execute0_lowered;
	[smem:$0x3FD2] =	sst s25  }
0xa6: {  	s5 =	sshll.u32 s26, $0x1;
	_ =	strace $0x80000046;
	[dreg:$0x1] =	wrdreg $0xFFFFFFFF  }
0xa7: {  	s28 =	simm.s32 $_size_execute0_lowered;
	s3 =	sadd.s32 s3, s5;
	[dreg:$0x0] =	wrdreg $0x0  }
0xa8: {  	s5 =	sshll.u32 s28, $0x1;
	[dreg:$0x2] =	wrdreg s3  }
0xa9: {  	[dreg:$0x3] =	wrdreg s5  }
0xaa: {  	[dreg:$0x4] =	wrdreg $0xC0  }
0xab: {  	_ =	task [dreg:s7], $0x5FFFF  }
0xac: {  	[dreg:$0x1] =	wrdreg $0xFFFFFFFF  }
0xad: {  	[dreg:$0x0] =	wrdreg $0x60  }
0xae: {  	[dreg:$0x2] =	wrdreg s2  }
0xaf: {  	[dreg:$0x3] =	wrdreg s24  }
0xb0: {  	[dreg:$0x4] =	wrdreg $0x1D8000  }
0xb1: {  	[dreg:$0x5] =	wrdreg $0x9  }
0xb2: {  	_ =	task.clear_ibuf [dreg:s7], $0x6FFFF;
	_ =	strace $0x90000046  }
0xb3: {  	s29 =	simm.s32 $0x9;
	_ =	strace $0x80000048  }
0xb4: {  	_ =	swait.ge [sflag:s29], $0x1  }
0xb5: {  	[sflag:s29] =	ssyncadd.s32 $0xFFFFFFFF  }
0xb6: {  	_ =	strace $0x90000048  }
0xb7: {  	_ =	sfence  }
0xb8: {  	s30 =	sld [smem:$0x0];
	_ =	sdelay $0x2  }
0xb9: {  	s31 =	sshll.u32 s1, $0xD;
	s1 =	sshrl.u32 s1, $0x2  }
0xba: {  	s3 =	sand.u32 $0x4000, s31;
	s1 =	sadd.s32 s1, s30  }
0xbb: {  	s0 =	sor.u32 s3, s0;
	s1 =	sshll.u32 s1, $0x11  }
0xbc: {  	s0 =	sor.u32 s1, s0  }
0xbd: {  	s0 =	sadd.s32 $0x8F2B, s0  }
0xbe: {  	[sflag:s0] =	ssyncadd.remote.s32 $0x1  }
0xbf: {  	_ =	sfence.sel $0xFFFF  }
0xc0: {  	[dreg:$0x0] =	wrdreg $0xFFFFFFFF;
	(pc) =	sbr.abs _section_cstart, $3  }
0xc1: {  	[dreg:$0x1] =	wrdreg $0xFFFFFFFF  }
0xc2: {  	_ =	task.clear_ibuf [dreg:s7], $0x2FFFF;
	_ =	strace $0x9FFFFFFF  }
0xc3: {  	(tm) =	ssettm $0x7FFFFFFF  }
tec
execute0_lowered:
.L_overlay_start_1:
0x0: {  	(tag) =	ssettag $0x1  }
0x1: {  	s0 =	rddreg [dreg:$0x0]  }
0x2: {  	s1 =	srdreg.scid;
	s3 =	rddreg [dreg:$0x1]  }
0x3: {  	s2 =	rddreg [dreg:$0x2];
	s11 =	stileid.u32  }
0x4: {  	s6 =	simm.s32 $0x0;
	s31 =	simm.s32 $0x1;
	s1 =	sand.u32 $0x1, s1  }
0x5: {  	[smem:$0x7FF] =	sst s6;
	s7 =	sshll.u32 s11, $0xA;
	s30 =	smul.u32 $0x1E000, s11  }
0x6: {  	s4 =	sshll.u32 s1, $0x4;
	s8 =	ssub.s32 $0x2, s1;
	s28 =	smul.u32 $0x91000, s1  }
0x7: {  	s29 =	sshll.u32 s1, $0xE;
	s1 =	smul.u32 $0x1E0000, s1;
	s5 =	sor.u32 s11, s4  }
0x8: {  	s20 =	sshll.u32 s11, $0xD;
	_ =	strace $0x80000047;
	s18 =	smul.u32 $0x1E00, s5  }
0x9: {  	s19 =	sshrl.u32 s8, $0x1;
	s4 =	sshll.u32 s5, $0xA;
	s9 =	smul.u32 $0x48800, s5  }
0xa: {  	s16 =	ssub.s32 s8, s19;
	s5 =	smul.u32 $0x9100, s5;
	s19 =	simm.s32 $0x1B800  }
0xb: {  	s17 =	sadd.s32 s4, s3;
	s4 =	sadd.s32 s20, s2;
	s16 =	smax.u32 s16, $0x1  }
0xc: {  	s20 =	simm.s32 $0x11;
	s10 =	sadd.s32 s18, s3;
	s3 =	sadd.s32 s7, s3  }
0xd: {  	s21 =	sshrl.u32 s9, $0x3;
	s6 =	sadd.s32 $0x600, s17;
	s5 =	sadd.s32 s0, s5  }
0xe: {  	s17 =	smul.u32 $0x9100, s11;
	s14 =	sadd.s32 s0, s21;
	[dreg:$0x4] =	wrdreg s6  }
0xf: {  	s22 =	sadd.s32 $0x8600, s10;
	s5 =	sadd.s32 $0x3C0000, s5;
	s3 =	sadd.s32 s29, s3  }
0x10: {  	s21 =	simm.s32 $0x0;
	s23 =	sadd.s32 $0x3C0280, s14;
	s24 =	sadd.s32 $0x3C0500, s14  }
0x11: {  	[dreg:$0x5] =	wrdreg s22;
	s25 =	sadd.s32 $0x3C0780, s14;
	s26 =	sadd.s32 $0x3C0A00, s14  }
0x12: {  	[dreg:$0x9] =	wrdreg s5;
	s12 =	sadd.s32 $0x3C0C80, s14;
	s13 =	sadd.s32 $0x3C0F00, s14  }
0x13: {  	s14 =	sadd.s32 $0x3C1180, s14;
	s15 =	sadd.s32 $0x44600, s3;
	[dreg:$0x6] =	wrdreg s23  }
0x14: {  	s5 =	sadd.s32 s28, s0;
	s0 =	sadd.s32 s1, s0;
	[dreg:$0x7] =	wrdreg s24  }
0x15: {  	s22 =	simm.s32 $0x2000;
	s1 =	simm.s32 $0x2;
	[dreg:$0x8] =	wrdreg s25  }
0x16: {  	s3 =	simm.s32 $0x9;
	[dreg:$0xa] =	wrdreg s26;
	s17 =	sadd.s32 s17, s5  }
0x17: {  	v0 =	vimm.f32 $0.0e+00;
	s18 =	sadd.s32 s30, s0;
	s23 =	simm.s32 $0x3400;
	s0 =	simm.s32 $0x28  }
.LBB2_1:
0x18: {  	s5 =	simm.s32 $0x0;
	s24 =	simm.s32 $0x200  }
.LBB2_2:
0x19: {  	p0 =	sne.s32 s24, $0x7E00;
	[tilespmem:s5+$0x1B870] =	vst v0  }
0x1a: {  	[tilespmem:s5+$0x1B800] =	vst v0  }
0x1b: {  	[tilespmem:s5+$0x1B810] =	vst v0  }
.Ltmp0:
0x1c: {  	[tilespmem:s5+$0x1B820] =	vst v0;
	(pc) =	sbr.rel @p0 .LBB2_2-.Ltmp0, $4  }
0x1d: {  	[tilespmem:s5+$0x1B830] =	vst v0  }
0x1e: {  	[tilespmem:s5+$0x1B840] =	vst v0  }
0x1f: {  	[tilespmem:s5+$0x1B850] =	vst v0  }
0x20: {  	[tilespmem:s5+$0x1B860] =	vst v0;
	s5 =	sshra.s32 s24, $0x2;
	s24 =	sadd.s32 $0x200, s24  }
0x21: {  	[tilespmem:s5+$0x1B870] =	vst v0  }
0x22: {  	[tilespmem:s5+$0x1B800] =	vst v0  }
0x23: {  	[tilespmem:s5+$0x1B810] =	vst v0  }
0x24: {  	[tilespmem:s5+$0x1B820] =	vst v0  }
0x25: {  	[tilespmem:s5+$0x1B830] =	vst v0  }
0x26: {  	[tilespmem:s5+$0x1B840] =	vst v0  }
0x27: {  	[tilespmem:s5+$0x1B850] =	vst v0  }
0x28: {  	[tilespmem:s5+$0x1B860] =	vst v0  }
0x29: {  	[spmem:s4] =	stream.linear.scatter [tilespmem:s19], [sflag:$0x11], $0x2000, $0x38;
	[tilespmem:$0x1F800] =	vst v63  }
0x2a: {  	_ =	swait.ge [sflag:s20], $0x2000  }
0x2b: {  	[sflag:s20] =	ssyncset.done $0x0  }
0x2c: {  	s24 =	simm.s32 $0x0;
	s6 =	rddreg [dreg:$0x4];
	[sflag:s20] =	ssyncadd.s32 $0xFFFFE000  }
0x2d: {  	[tilespmem:s24], [sflag:$0x11] =	stream.linear.gather [hbm4b:s6+s24], $0x1D00, $0x38;
	[tilespmem:$0x1F800] =	vst v63  }
0x2e: {  	_ =	swait.ge [sflag:s20], $0x1D00  }
0x2f: {  	[sflag:s20] =	ssyncset.done $0x0  }
0x30: {  	s6 =	simm.s32 $0xC000;
	s7 =	rddreg [dreg:$0x5];
	[sflag:s20] =	ssyncadd.s32 $0xFFFFE300  }
0x31: {  	[tilespmem:s6], [sflag:$0x11] =	stream.linear.gather [hbm4b:s7+s24], $0xF000, $0x38;
	[tilespmem:$0x1F800] =	vst v63  }
0x32: {  	_ =	swait.ge [sflag:s20], $0xF000  }
0x33: {  	[sflag:s20] =	ssyncset.done $0x0  }
0x34: {  	[sflag:s20] =	ssyncadd.s32 $0xFFFF1000  }
0x35: {  	[bflag:$0x0] =	sbarrier.arrive $0xFFFF  }
0x36: {  	s8 =	rddreg [dreg:$0x9]  }
0x37: {  	[tilespmem:s22], [sflag:$0x1] =	stream.linear.gather [hbm4b:s8+s24], $0x1400, $0x38;
	[tilespmem:$0x1F800] =	vst v63  }
0x38: {  	s9 =	rddreg [dreg:$0x6]  }
0x39: {  	[tilespmem:s23], [sflag:$0x2] =	stream.linear.gather [hbm4b:s9+s24], $0x1400, $0x38;
	[tilespmem:$0x1F800] =	vst v63  }
0x3a: {  	s11 =	simm.s32 $0x4800;
	s10 =	rddreg [dreg:$0x7]  }
0x3b: {  	[tilespmem:s11], [sflag:$0x3] =	stream.linear.gather [hbm4b:s10+s24], $0x1400, $0x38;
	[tilespmem:$0x1F800] =	vst v63  }
0x3c: {  	s26 =	simm.s32 $0x5C00;
	s25 =	rddreg [dreg:$0x8]  }
0x3d: {  	[tilespmem:s26], [sflag:$0x4] =	stream.linear.gather [hbm4b:s25+s24], $0x1400, $0x38;
	[tilespmem:$0x1F800] =	vst v63  }
0x3e: {  	s7 =	rddreg [dreg:$0xa];
	s8 =	simm.s32 $0x7000  }
0x3f: {  	[tilespmem:s8], [sflag:$0x5] =	stream.linear.gather [hbm4b:s7+s24], $0x1400, $0x38;
	[tilespmem:$0x1F800] =	vst v63  }
0x40: {  	s9 =	simm.s32 $0x8400  }
0x41: {  	[tilespmem:s9], [sflag:$0x6] =	stream.linear.gather [hbm4b:s12+s24], $0x1400, $0x38;
	[tilespmem:$0x1F800] =	vst v63  }
0x42: {  	s10 =	simm.s32 $0x9800  }
0x43: {  	[tilespmem:s10], [sflag:$0x7] =	stream.linear.gather [hbm4b:s13+s24], $0x1400, $0x38;
	[tilespmem:$0x1F800] =	vst v63  }
0x44: {  	s11 =	simm.s32 $0xAC00  }
0x45: {  	[tilespmem:s11], [sflag:$0x8] =	stream.linear.gather [hbm4b:s14+s24], $0x1400, $0x38;
	[tilespmem:$0x1F800] =	vst v63  }
0x46: {  	_ =	swait.ge [sflag:s31], $0x1400  }
0x47: {  	[sflag:s31] =	ssyncset.done $0x0  }
0x48: {  	s25 =	simm.s32 $0x0;
	[sflag:s31] =	ssyncadd.s32 $0xFFFFEC00  }
0x49: {  	[spmem:s2] =	stream.indirect.scatter.add.f32 [tilespmem:s22], [sflag:$0x9], $0x80, s25, s0, $0xb8;
	[tilespmem:$0x1F800] =	vst v63  }
0x4a: {  	_ =	swait.ge [sflag:s1], $0x1400  }
0x4b: {  	p0 =	por $0x0, $0x0;
	[sflag:s1] =	ssyncset.done $0x0  }
0x4c: {  	s6 =	simm.s32 @!p0 $0x3;
	s26 =	simm.s32 $0x80;
	[sflag:s1] =	ssyncadd.s32 $0xFFFFEC00  }
0x4d: {  	[spmem:s2] =	stream.indirect.scatter.add.f32 [tilespmem:s23], [sflag:$0xA], $0x80, s26, s0, $0xb8;
	[tilespmem:$0x1F800] =	vst v63  }
0x4e: {  	_ =	swait.ge @!p0 [sflag:s6], $0x1400  }
0x4f: {  	s5 =	simm.s32 @!p0 $0x4800;
	s25 =	simm.s32 @!p0 $0x100;
	[sflag:s6] =	ssyncset.done @!p0 $0x0  }
0x50: {  	s26 =	simm.s32 @!p0 $0x28;
	[sflag:s6] =	ssyncadd.s32 @!p0 $0xFFFFEC00;
	s6 =	simm.s32 @!p0 $0x4  }
0x51: {  	[spmem:s2] =	stream.indirect.scatter.add.f32 @!p0 [tilespmem:s5], [sflag:$0xB], $0x80, s25, s26, $0xb8;
	[tilespmem:$0x1F800] =	vst v63  }
0x52: {  	_ =	swait.ge @!p0 [sflag:s6], $0x1400  }
0x53: {  	s5 =	simm.s32 @!p0 $0x180;
	[sflag:s6] =	ssyncset.done @!p0 $0x0  }
0x54: {  	s25 =	simm.s32 @!p0 $0x5C00;
	[sflag:s6] =	ssyncadd.s32 @!p0 $0xFFFFEC00;
	s6 =	simm.s32 @!p0 $0x5  }
0x55: {  	[spmem:s2] =	stream.indirect.scatter.add.f32 @!p0 [tilespmem:s25], [sflag:$0xC], $0x80, s5, s26, $0xb8;
	[tilespmem:$0x1F800] =	vst v63  }
0x56: {  	_ =	swait.ge @!p0 [sflag:s6], $0x1400  }
0x57: {  	s5 =	simm.s32 @!p0 $0x200;
	[sflag:s6] =	ssyncset.done @!p0 $0x0  }
0x58: {  	s25 =	simm.s32 @!p0 $0x7000;
	[sflag:s6] =	ssyncadd.s32 @!p0 $0xFFFFEC00;
	s6 =	simm.s32 @!p0 $0x6  }
0x59: {  	[spmem:s2] =	stream.indirect.scatter.add.f32 @!p0 [tilespmem:s25], [sflag:$0xD], $0x80, s5, s26, $0xb8;
	[tilespmem:$0x1F800] =	vst v63  }
0x5a: {  	_ =	swait.ge @!p0 [sflag:s6], $0x1400  }
0x5b: {  	s5 =	simm.s32 @!p0 $0x280;
	[sflag:s6] =	ssyncset.done @!p0 $0x0  }
0x5c: {  	s25 =	simm.s32 @!p0 $0x8400;
	[sflag:s6] =	ssyncadd.s32 @!p0 $0xFFFFEC00;
	s6 =	simm.s32 @!p0 $0x7  }
0x5d: {  	[spmem:s2] =	stream.indirect.scatter.add.f32 @!p0 [tilespmem:s25], [sflag:$0xE], $0x80, s5, s26, $0xb8;
	[tilespmem:$0x1F800] =	vst v63  }
0x5e: {  	_ =	swait.ge @!p0 [sflag:s6], $0x1400  }
0x5f: {  	s5 =	simm.s32 @!p0 $0x300;
	[sflag:s6] =	ssyncset.done @!p0 $0x0  }
0x60: {  	s25 =	simm.s32 @!p0 $0x9800;
	[sflag:s6] =	ssyncadd.s32 @!p0 $0xFFFFEC00;
	s6 =	simm.s32 @!p0 $0x8  }
0x61: {  	[spmem:s2] =	stream.indirect.scatter.add.f32 @!p0 [tilespmem:s25], [sflag:$0xF], $0x80, s5, s26, $0xb8;
	[tilespmem:$0x1F800] =	vst v63  }
0x62: {  	_ =	swait.ge @!p0 [sflag:s6], $0x1400  }
0x63: {  	p1 =	por $0x1, $0x1;
	[sflag:s6] =	ssyncset.done @!p0 $0x0  }
0x64: {  	s5 =	simm.s32 $0x380;
	s25 =	simm.s32 @!p0 $0xAC00;
	[sflag:s6] =	ssyncadd.s32 @!p0 $0xFFFFEC00  }
0x65: {  	[spmem:s2] =	stream.indirect.scatter.add.f32 @!p0 [tilespmem:s25], [sflag:$0x10], $0x80, s5, s26, $0xb8;
	[tilespmem:$0x1F800] =	vst v63  }
0x66: {  	s28 =	simm.s32 @p1 $0xA;
	_ =	swait.ge [sflag:s3], $0x1400  }
0x67: {  	s6 =	simm.s32 @p1 $0x2000;
	s5 =	sadd.s32 @p1 $0x0, s17;
	[sflag:s3] =	ssyncset.done $0x0  }
0x68: {  	s26 =	simm.s32 @p1 $0x0;
	s25 =	sadd.s32 @p1 $0x3C1400, s5;
	[sflag:s3] =	ssyncadd.s32 $0xFFFFEC00  }
0x69: {  	[tilespmem:s6], [sflag:$0x1] =	stream.linear.gather @p1 [hbm4b:s25+s26], $0x1400, $0x38;
	[tilespmem:$0x1F800] =	vst v63  }
0x6a: {  	_ =	swait.ge @p1 [sflag:s28], $0x1400  }
0x6b: {  	s5 =	sadd.s32 @p1 $0x3C1680, s5;
	[sflag:s28] =	ssyncset.done @p1 $0x0  }
0x6c: {  	s6 =	simm.s32 @p1 $0x3400;
	s25 =	simm.s32 @!p1 $0xA;
	[sflag:s28] =	ssyncadd.s32 @p1 $0xFFFFEC00  }
0x6d: {  	[tilespmem:s6], [sflag:$0x2] =	stream.linear.gather @p1 [hbm4b:s5+s26], $0x1400, $0x38;
	[tilespmem:$0x1F800] =	vst v63  }
0x6e: {  	_ =	swait.ge @!p1 [sflag:s25], $0x1400  }
0x6f: {  	[sflag:s25] =	ssyncset.done @!p1 $0x0  }
0x70: {  	p2 =	por $0x0, $0x0;
	s5 =	simm.s32 @!p0 $0xB;
	[sflag:s25] =	ssyncadd.s32 @!p1 $0xFFFFEC00  }
0x71: {  	s6 =	sadd.s32 @!p2 $0x0, s17;
	_ =	swait.ge @!p0 [sflag:s5], $0x1400  }
0x72: {  	s30 =	simm.s32 @!p2 $0x0;
	s26 =	sadd.s32 @!p2 $0x3C1900, s6;
	[sflag:s5] =	ssyncset.done @!p0 $0x0  }
0x73: {  	s25 =	simm.s32 @!p2 $0x4800;
	[sflag:s5] =	ssyncadd.s32 @!p0 $0xFFFFEC00;
	s5 =	simm.s32 @!p0 $0xC  }
0x74: {  	[tilespmem:s25], [sflag:$0x3] =	stream.linear.gather @!p2 [hbm4b:s26+s30], $0x1400, $0x38;
	[tilespmem:$0x1F800] =	vst v63  }
0x75: {  	_ =	swait.ge @!p0 [sflag:s5], $0x1400  }
0x76: {  	s25 =	sadd.s32 @!p2 $0x3C1B80, s6;
	[sflag:s5] =	ssyncset.done @!p0 $0x0  }
0x77: {  	s26 =	simm.s32 @!p2 $0x5C00;
	[sflag:s5] =	ssyncadd.s32 @!p0 $0xFFFFEC00;
	s5 =	simm.s32 @!p0 $0xD  }
0x78: {  	[tilespmem:s26], [sflag:$0x4] =	stream.linear.gather @!p2 [hbm4b:s25+s30], $0x1400, $0x38;
	[tilespmem:$0x1F800] =	vst v63  }
0x79: {  	_ =	swait.ge @!p0 [sflag:s5], $0x1400  }
0x7a: {  	s25 =	sadd.s32 @!p2 $0x3C1E00, s6;
	[sflag:s5] =	ssyncset.done @!p0 $0x0  }
0x7b: {  	s26 =	simm.s32 @!p2 $0x7000;
	[sflag:s5] =	ssyncadd.s32 @!p0 $0xFFFFEC00;
	s5 =	simm.s32 @!p0 $0xE  }
0x7c: {  	[tilespmem:s26], [sflag:$0x5] =	stream.linear.gather @!p2 [hbm4b:s25+s30], $0x1400, $0x38;
	[tilespmem:$0x1F800] =	vst v63  }
0x7d: {  	_ =	swait.ge @!p0 [sflag:s5], $0x1400  }
0x7e: {  	s25 =	sadd.s32 @!p2 $0x3C2080, s6;
	[sflag:s5] =	ssyncset.done @!p0 $0x0  }
0x7f: {  	s26 =	simm.s32 @!p2 $0x8400;
	[sflag:s5] =	ssyncadd.s32 @!p0 $0xFFFFEC00;
	s5 =	simm.s32 @!p0 $0xF  }
0x80: {  	[tilespmem:s26], [sflag:$0x6] =	stream.linear.gather @!p2 [hbm4b:s25+s30], $0x1400, $0x38;
	[tilespmem:$0x1F800] =	vst v63  }
0x81: {  	_ =	swait.ge @!p0 [sflag:s5], $0x1400  }
0x82: {  	s29 =	simm.s32 @!p0 $0x10;
	s28 =	simm.s32 @!p2 $0x9800;
	[sflag:s5] =	ssyncset.done @!p0 $0x0  }
0x83: {  	s25 =	simm.s32 $0x1400;
	s26 =	sadd.s32 @!p2 $0x3C2300, s6;
	[sflag:s5] =	ssyncadd.s32 @!p0 $0xFFFFEC00  }
0x84: {  	[tilespmem:s28], [sflag:$0x7] =	stream.linear.gather @!p2 [hbm4b:s26+s30], $0x1400, $0x38;
	[tilespmem:$0x1F800] =	vst v63  }
0x85: {  	s5 =	sadd.s32 @!p2 $0x3C2580, s6;
	s6 =	simm.s32 @!p2 $0xAC00;
	_ =	swait.ge @!p0 [sflag:s29], $0x1400  }
0x86: {  	s26 =	simm.s32 $0xA;
	s28 =	simm.s32 $0x780;
	[sflag:s29] =	ssyncset.done @!p0 $0x0  }
.LBB2_4:
0x87: {  	[sflag:s29] =	ssyncadd.s32 @!p0 $0xFFFFEC00  }
0x88: {  	s24 =	sadd.s32 $0x1, s24;
	s29 =	smov.u32 s25;
	s25 =	sadd.s32 $0x1400, s25  }
0x89: {  	[tilespmem:s6], [sflag:$0x8] =	stream.linear.gather @!p2 [hbm4b:s5+s30], $0x1400, $0x38;
	[tilespmem:$0x1F800] =	vst v63  }
0x8a: {  	p1 =	sne.s32 s25, $0xA000;
	_ =	swait.ge [sflag:s31], $0x1400  }
0x8b: {  	s5 =	sadd.s32 $0xFFFFFC80, s28;
	[sflag:s31] =	ssyncset.done $0x0  }
0x8c: {  	[sflag:s31] =	ssyncadd.s32 $0xFFFFEC00  }
0x8d: {  	[spmem:s2] =	stream.indirect.scatter.add.f32 [tilespmem:s22], [sflag:$0x9], $0x80, s5, s0, $0xb8;
	[tilespmem:$0x1F800] =	vst v63  }
0x8e: {  	_ =	swait.ge [sflag:s1], $0x1400  }
0x8f: {  	p0 =	sgt.u32 s26, $0x39;
	s5 =	sadd.s32 $0xFFFFFD00, s28;
	[sflag:s1] =	ssyncset.done $0x0  }
0x90: {  	s6 =	simm.s32 @!p0 $0x3;
	[sflag:s1] =	ssyncadd.s32 $0xFFFFEC00  }
0x91: {  	[spmem:s2] =	stream.indirect.scatter.add.f32 [tilespmem:s23], [sflag:$0xA], $0x80, s5, s0, $0xb8;
	[tilespmem:$0x1F800] =	vst v63  }
0x92: {  	s5 =	simm.s32 @!p0 $0x4800;
	_ =	swait.ge @!p0 [sflag:s6], $0x1400  }
0x93: {  	s30 =	sadd.s32 @!p0 $0xFFFFFD80, s28;
	s7 =	simm.s32 @!p0 $0x28;
	[sflag:s6] =	ssyncset.done @!p0 $0x0  }
0x94: {  	[sflag:s6] =	ssyncadd.s32 @!p0 $0xFFFFEC00;
	s6 =	simm.s32 @!p0 $0x4  }
0x95: {  	[spmem:s2] =	stream.indirect.scatter.add.f32 @!p0 [tilespmem:s5], [sflag:$0xB], $0x80, s30, s7, $0xb8;
	[tilespmem:$0x1F800] =	vst v63  }
0x96: {  	_ =	swait.ge @!p0 [sflag:s6], $0x1400  }
0x97: {  	s5 =	sadd.s32 @!p0 $0xFFFFFE00, s28;
	s30 =	simm.s32 @!p0 $0x5C00;
	[sflag:s6] =	ssyncset.done @!p0 $0x0  }
0x98: {  	[sflag:s6] =	ssyncadd.s32 @!p0 $0xFFFFEC00;
	s6 =	simm.s32 @!p0 $0x5  }
0x99: {  	[spmem:s2] =	stream.indirect.scatter.add.f32 @!p0 [tilespmem:s30], [sflag:$0xC], $0x80, s5, s7, $0xb8;
	[tilespmem:$0x1F800] =	vst v63  }
0x9a: {  	_ =	swait.ge @!p0 [sflag:s6], $0x1400  }
0x9b: {  	s5 =	sadd.s32 @!p0 $0xFFFFFE80, s28;
	s30 =	simm.s32 @!p0 $0x7000;
	[sflag:s6] =	ssyncset.done @!p0 $0x0  }
0x9c: {  	[sflag:s6] =	ssyncadd.s32 @!p0 $0xFFFFEC00;
	s6 =	simm.s32 @!p0 $0x6  }
0x9d: {  	[spmem:s2] =	stream.indirect.scatter.add.f32 @!p0 [tilespmem:s30], [sflag:$0xD], $0x80, s5, s7, $0xb8;
	[tilespmem:$0x1F800] =	vst v63  }
0x9e: {  	_ =	swait.ge @!p0 [sflag:s6], $0x1400  }
0x9f: {  	s5 =	sadd.s32 @!p0 $0xFFFFFF00, s28;
	s30 =	simm.s32 @!p0 $0x8400;
	[sflag:s6] =	ssyncset.done @!p0 $0x0  }
0xa0: {  	[sflag:s6] =	ssyncadd.s32 @!p0 $0xFFFFEC00;
	s6 =	simm.s32 @!p0 $0x7  }
0xa1: {  	[spmem:s2] =	stream.indirect.scatter.add.f32 @!p0 [tilespmem:s30], [sflag:$0xE], $0x80, s5, s7, $0xb8;
	[tilespmem:$0x1F800] =	vst v63  }
0xa2: {  	_ =	swait.ge @!p0 [sflag:s6], $0x1400  }
0xa3: {  	s5 =	sadd.s32 @!p0 $0xFFFFFF80, s28;
	s30 =	simm.s32 @!p0 $0x9800;
	[sflag:s6] =	ssyncset.done @!p0 $0x0  }
0xa4: {  	[sflag:s6] =	ssyncadd.s32 @!p0 $0xFFFFEC00;
	s6 =	simm.s32 @!p0 $0x8  }
0xa5: {  	[spmem:s2] =	stream.indirect.scatter.add.f32 @!p0 [tilespmem:s30], [sflag:$0xF], $0x80, s5, s7, $0xb8;
	[tilespmem:$0x1F800] =	vst v63  }
0xa6: {  	_ =	swait.ge @!p0 [sflag:s6], $0x1400  }
0xa7: {  	s5 =	simm.s32 @!p0 $0xAC00;
	[sflag:s6] =	ssyncset.done @!p0 $0x0  }
0xa8: {  	p2 =	sne.s32 s29, $0x8C00;
	[sflag:s6] =	ssyncadd.s32 @!p0 $0xFFFFEC00  }
0xa9: {  	[spmem:s2] =	stream.indirect.scatter.add.f32 @!p0 [tilespmem:s5], [sflag:$0x10], $0x80, s28, s7, $0xb8;
	[tilespmem:$0x1F800] =	vst v63  }
0xaa: {  	s6 =	simm.s32 @p2 $0x2000;
	s5 =	sadd.s32 @p2 s29, s17;
	_ =	swait.ge [sflag:s3], $0x1400  }
0xab: {  	s30 =	simm.s32 @p2 $0x0;
	s7 =	sadd.s32 @p2 $0x3C1400, s5;
	[sflag:s3] =	ssyncset.done $0x0  }
0xac: {  	s8 =	simm.s32 @p2 $0xA;
	s5 =	sadd.s32 @p2 $0x3C1680, s5;
	[sflag:s3] =	ssyncadd.s32 $0xFFFFEC00  }
0xad: {  	[tilespmem:s6], [sflag:$0x1] =	stream.linear.gather @p2 [hbm4b:s7+s30], $0x1400, $0x38;
	[tilespmem:$0x1F800] =	vst v63  }
0xae: {  	_ =	swait.ge @p2 [sflag:s8], $0x1400  }
0xaf: {  	s6 =	simm.s32 @p2 $0x3400;
	[sflag:s8] =	ssyncset.done @p2 $0x0  }
0xb0: {  	s7 =	simm.s32 @!p2 $0xA;
	[sflag:s8] =	ssyncadd.s32 @p2 $0xFFFFEC00  }
0xb1: {  	[tilespmem:s6], [sflag:$0x2] =	stream.linear.gather @p2 [hbm4b:s5+s30], $0x1400, $0x38;
	[tilespmem:$0x1F800] =	vst v63  }
0xb2: {  	_ =	swait.ge @!p2 [sflag:s7], $0x1400  }
0xb3: {  	s5 =	simm.s32 @!p0 $0xB;
	[sflag:s7] =	ssyncset.done @!p2 $0x0  }
0xb4: {  	[sflag:s7] =	ssyncadd.s32 @!p2 $0xFFFFEC00;
	p2 =	sgt.u32 s24, $0x5  }
0xb5: {  	_ =	swait.ge @!p0 [sflag:s5], $0x1400;
	s6 =	sadd.s32 @!p2 s29, s17;
	s7 =	simm.s32 @!p2 $0x4800  }
0xb6: {  	s30 =	simm.s32 @!p2 $0x0;
	[sflag:s5] =	ssyncset.done @!p0 $0x0;
	s8 =	sadd.s32 @!p2 $0x3C1900, s6  }
0xb7: {  	s29 =	sadd.s32 @!p2 $0x3C1B80, s6;
	[sflag:s5] =	ssyncadd.s32 @!p0 $0xFFFFEC00;
	s5 =	simm.s32 @!p0 $0xC  }
0xb8: {  	[tilespmem:s7], [sflag:$0x3] =	stream.linear.gather @!p2 [hbm4b:s8+s30], $0x1400, $0x38;
	[tilespmem:$0x1F800] =	vst v63  }
0xb9: {  	s7 =	sadd.s32 @!p2 $0x3C1E00, s6;
	_ =	swait.ge @!p0 [sflag:s5], $0x1400  }
0xba: {  	s9 =	sadd.s32 @!p2 $0x3C2080, s6;
	s8 =	simm.s32 @!p2 $0x5C00;
	[sflag:s5] =	ssyncset.done @!p0 $0x0  }
0xbb: {  	s10 =	simm.s32 @!p0 $0xD;
	s11 =	sadd.s32 @!p2 $0x3C2300, s6;
	[sflag:s5] =	ssyncadd.s32 @!p0 $0xFFFFEC00  }
0xbc: {  	[tilespmem:s8], [sflag:$0x4] =	stream.linear.gather @!p2 [hbm4b:s29+s30], $0x1400, $0x38;
	[tilespmem:$0x1F800] =	vst v63  }
0xbd: {  	s5 =	sadd.s32 @!p2 $0x3C2580, s6;
	_ =	swait.ge @!p0 [sflag:s10], $0x1400  }
0xbe: {  	s6 =	simm.s32 @!p2 $0x7000;
	[sflag:s10] =	ssyncset.done @!p0 $0x0  }
0xbf: {  	s8 =	simm.s32 @!p0 $0xE;
	[sflag:s10] =	ssyncadd.s32 @!p0 $0xFFFFEC00  }
0xc0: {  	[tilespmem:s6], [sflag:$0x5] =	stream.linear.gather @!p2 [hbm4b:s7+s30], $0x1400, $0x38;
	[tilespmem:$0x1F800] =	vst v63  }
0xc1: {  	_ =	swait.ge @!p0 [sflag:s8], $0x1400  }
0xc2: {  	s6 =	simm.s32 @!p2 $0x8400;
	[sflag:s8] =	ssyncset.done @!p0 $0x0  }
0xc3: {  	s7 =	simm.s32 @!p0 $0xF;
	[sflag:s8] =	ssyncadd.s32 @!p0 $0xFFFFEC00  }
0xc4: {  	[tilespmem:s6], [sflag:$0x6] =	stream.linear.gather @!p2 [hbm4b:s9+s30], $0x1400, $0x38;
	[tilespmem:$0x1F800] =	vst v63  }
0xc5: {  	_ =	swait.ge @!p0 [sflag:s7], $0x1400  }
.Ltmp1:
0xc6: {  	s6 =	simm.s32 @!p2 $0x9800;
	[sflag:s7] =	ssyncset.done @!p0 $0x0;
	(pc) =	sbr.rel @p1 .LBB2_4-.Ltmp1, $4  }
0xc7: {  	s29 =	simm.s32 @!p0 $0x10;
	[sflag:s7] =	ssyncadd.s32 @!p0 $0xFFFFEC00  }
0xc8: {  	[tilespmem:s6], [sflag:$0x7] =	stream.linear.gather @!p2 [hbm4b:s11+s30], $0x1400, $0x38;
	[tilespmem:$0x1F800] =	vst v63  }
0xc9: {  	s26 =	sadd.s32 $0x8, s26;
	_ =	swait.ge @!p0 [sflag:s29], $0x1400  }
0xca: {  	s28 =	sadd.s32 $0x400, s28;
	s6 =	simm.s32 @!p2 $0xAC00;
	[sflag:s29] =	ssyncset.done @!p0 $0x0  }
0xcb: {  	[sflag:s29] =	ssyncadd.s32 @!p0 $0xFFFFEC00;
	s24 =	simm.s32 $0xC000  }
0xcc: {  	[tilespmem:s6], [sflag:$0x8] =	stream.linear.gather @!p2 [hbm4b:s5+s30], $0x1400, $0x38;
	[tilespmem:$0x1F800] =	vst v63  }
0xcd: {  	v1 =	vld [tilespmem:s24+$0x0];
	_ =	sdelay $0x4  }
0xce: {  	(v2sf) =	vpush v1, $0x0  }
0xcf: {  	(v2sf) =	vpush v1, $0xF;
	_ =	sdelay $0xd  }
0xd0: {  	s29 =	spop (v2sf)  }
0xd1: {  	s30 =	spop (v2sf)  }
0xd2: {  	p1 =	seq.s32 s29, s30  }
0xd3: {  	s5 =	sadd.s32 @!p1 $0x0, s18;
	s6 =	simm.s32 @!p1 $0x0;
	s7 =	simm.s32 @!p1 $0x1B000  }
0xd4: {  	[tilespmem:s7], [sflag:$0x12] =	stream.linear.gather @!p1 [hbm4b:s5+s6], $0x800, $0x38;
	[tilespmem:$0x1F800] =	vst v63  }
0xd5: {  	s5 =	simm.s32 @!p1 $0x12  }
0xd6: {  	_ =	swait.ge @!p1 [sflag:s5], $0x800  }
0xd7: {  	s25 =	simm.s32 $0x100;
	[sflag:s5] =	ssyncset.done @!p1 $0x0  }
0xd8: {  	s6 =	simm.s32 @!p1 $0x10;
	[sflag:s5] =	ssyncadd.s32 @!p1 $0xFFFFF800;
	s5 =	simm.s32 @!p1 $0x11  }
0xd9: {  	[spmem:s2] =	stream.indirect.scatter.add.f32 @!p1 [tilespmem:s7], [sflag:$0x11], $0x80, s24, s6, $0xb8;
	[tilespmem:$0x1F800] =	vst v63  }
.LBB2_6:
0xda: {  	_ =	swait.ge @!p1 [sflag:s5], $0x800  }
0xdb: {  	s24 =	sadd.s32 $0x80, s24;
	s6 =	smov.u32 s25;
	s25 =	sadd.s32 $0x100, s25  }
0xdc: {  	p0 =	sne.s32 s25, $0x1E000;
	[sflag:s5] =	ssyncset.done @!p1 $0x0  }
0xdd: {  	[sflag:s5] =	ssyncadd.s32 @!p1 $0xFFFFF800  }
0xde: {  	v1 =	vld [tilespmem:s24+$0x0];
	_ =	sdelay $0x4  }
0xdf: {  	(v2sf) =	vpush v1, $0x0  }
0xe0: {  	(v2sf) =	vpush v1, $0xF;
	_ =	sdelay $0xd  }
0xe1: {  	s5 =	spop (v2sf)  }
0xe2: {  	s7 =	spop (v2sf)  }
0xe3: {  	p1 =	seq.s32 s5, s7  }
0xe4: {  	s5 =	sadd.s32 @!p1 s6, s18;
	s6 =	simm.s32 @!p1 $0x0;
	s7 =	simm.s32 @!p1 $0x1B000  }
0xe5: {  	[tilespmem:s7], [sflag:$0x12] =	stream.linear.gather @!p1 [hbm4b:s5+s6], $0x800, $0x38;
	[tilespmem:$0x1F800] =	vst v63  }
.Ltmp2:
0xe6: {  	s5 =	simm.s32 @!p1 $0x12;
	(pc) =	sbr.rel @p0 .LBB2_6-.Ltmp2, $4  }
0xe7: {  	_ =	swait.ge @!p1 [sflag:s5], $0x800  }
0xe8: {  	s6 =	simm.s32 @!p1 $0x10;
	[sflag:s5] =	ssyncset.done @!p1 $0x0  }
0xe9: {  	[sflag:s5] =	ssyncadd.s32 @!p1 $0xFFFFF800;
	s5 =	simm.s32 @!p1 $0x11  }
0xea: {  	[spmem:s2] =	stream.indirect.scatter.add.f32 @!p1 [tilespmem:s7], [sflag:$0x11], $0x80, s24, s6, $0xb8;
	[tilespmem:$0x1F800] =	vst v63  }
0xeb: {  	_ =	swait.ge @!p1 [sflag:s5], $0x800  }
0xec: {  	[sflag:s5] =	ssyncset.done @!p1 $0x0  }
0xed: {  	[sflag:s5] =	ssyncadd.s32 @!p1 $0xFFFFF800  }
0xee: {  	[bflag:$0x0] =	sbarrier.arrive $0xFFFF  }
0xef: {  	[tilespmem:s19], [sflag:$0x11] =	stream.linear.gather [spmem:s4], $0x2000, $0x38;
	[tilespmem:$0x1F800] =	vst v63  }
0xf0: {  	s21 =	sadd.s32 $0x1, s21;
	_ =	swait.ge [sflag:s20], $0x2000  }
0xf1: {  	p0 =	sne.s32 s21, s16;
	[sflag:s20] =	ssyncset.done $0x0  }
.Ltmp3:
0xf2: {  	s30 =	simm.s32 $0x0;
	[sflag:s20] =	ssyncadd.s32 $0xFFFFE000;
	(pc) =	sbr.rel @p0 .LBB2_1-.Ltmp3, $4  }
0xf3: {  	[hbm4b:s15+s30] =	stream.linear.scatter [tilespmem:s19], [sflag:$0x11], $0x2000, $0x38;
	[tilespmem:$0x1F800] =	vst v63  }
0xf4: {  	_ =	swait.ge [sflag:s20], $0x2000  }
0xf5: {  	[sflag:s20] =	ssyncset.done $0x0  }
0xf6: {  	[sflag:s20] =	ssyncadd.s32 $0xFFFFE000  }
0xf7: {  	_ =	sfence.sel $0x180000  }
0xf8: {  	[bflag:$0x0] =	sbarrier.arrive $0xFFFF  }
0xf9: {  	_ =	strace $0x90000047  }
0xfa: {  	s0 =	stileid.u32;
	[bflag:$0x2] =	sbarrier.arrive $0xFFFF  }
0xfb: {  	p0 =	sne.s32 s0, $0x0;
	s0 =	rddreg [dreg:$0x3]  }
0xfc: {  	s0 =	sadd.s32 @!p0 $0x100000, s0  }
0xfd: {  	[sflag:s0] =	ssyncadd.tile.s32 @!p0 $0x1;
	_ =	shalt  }
.Lfunc_end2:
_tile_overlayer_lowered:
.L_overlay_start_2:
0xfe: {  	(tag) =	ssettag $0x2  }
0xff: {  	s0 =	rddreg [dreg:$0x0];
	s2 =	stileid.u32  }
0x100: {  	s1 =	rddreg [dreg:$0x1];
	p0 =	sne.s32 s2, $0x0  }
0x101: {  	s3 =	rddreg [dreg:$0x2];
	[bflag:$0x3] =	sbarrier.arrive $0xFFFF;
	s2 =	simm.s32 @!p0 $0x1C11  }
0x102: {  	[timem:s3], [sflag:s2] =	dma.local @!p0 [hbm:s0], s1  }
0x103: {  	s0 =	simm.s32 @!p0 $0x11  }
0x104: {  	_ =	swait.ge @!p0 [sflag:s0], s1  }
0x105: {  	s1 =	ssub.s32 @!p0 $0x0, s1;
	[sflag:s0] =	ssyncset.done @!p0 $0x0  }
0x106: {  	[sflag:s0] =	ssyncadd.s32 @!p0 s1  }
0x107: {  	[bflag:$0x3] =	sbarrier.arrive $0xFFFF  }
0x108: {  	_ =	shalt  }

// kernel: kernel.9.cloned.1.call-start
scs
__scs_entry_jumppad:
0x0: {  	(pc) =	sbr.rel $0x88, $3  }
0x1: {  	(tag) =	ssettag $0x0;
	lr =	simm.s32 $0x1  }
0x2: {  	[smem:$0x3F9F] =	sst lr;
	_ =	strace $0xD0000000  }
0x3: {  	_ = 	snop  }
0x4: {  	_ = 	snop  }
0x5: {  	_ = 	snop  }
0x6: {  	_ = 	snop  }
0x7: {  	_ = 	snop  }
__scs_overlays_trampoline_lowered:
0x8: {  	[smem:$0x3FAE] =	sst s0  }
0x9: {  	[smem:$0x3FAF] =	sst s1  }
0xa: {  	[smem:$0x3FB0] =	sst s2  }
0xb: {  	[smem:$0x3FB1] =	sst s3  }
0xc: {  	[smem:$0x3FB2] =	sst s4  }
0xd: {  	[smem:$0x3FB3] =	sst s5  }
0xe: {  	[smem:$0x3FB4] =	sst s6  }
0xf: {  	[smem:$0x3FB5] =	sst s7  }
0x10: {  	[smem:$0x3FB6] =	sst s8  }
0x11: {  	[smem:$0x3FB7] =	sst s9;
	s0 =	simm.s32 @!p0 $0x0  }
0x12: {  	s1 =	sld [smem:$0x3F9D];
	s0 =	simm.s32 @p0 $0x1  }
0x13: {  	[smem:$0x3FB8] =	sst s0;
	s0 =	simm.s32 @!p1 $0x0  }
0x14: {  	s2 =	sld [smem:$0x3F9C];
	s0 =	simm.s32 @p1 $0x1  }
0x15: {  	[smem:$0x3FB9] =	sst s0;
	s0 =	simm.s32 @!p2 $0x0  }
0x16: {  	s3 =	sld [smem:$0x3FDB];
	s0 =	simm.s32 @p2 $0x1  }
0x17: {  	s4 =	simm.s32 $0x1BF5;
	[smem:$0x3FBB] =	sst s0  }
0x18: {  	s0 =	sld [smem:$0x3F9E];
	_ =	swait.ge [sflag:s4], $0x0  }
0x19: {  	s7 =	sld [smem:$0x3F9F]  }
0x1a: {  	s8 =	sadd.s32 $0xFFFFE003, lr  }
0x1b: {  	s9 =	sadd.s32 $0xFFFFFEF7, lr;
	s5 =	simm.s32 $0xFFFFFFFF;
	p2 =	slt.u32 s8, $0xFFFFF086  }
0x1c: {  	p1 =	slt.u32 s9, $0xF7A;
	s5 =	simm.s32 @!p2 $0x0  }
0x1d: {  	s5 =	simm.s32 @p1 $0x1;
	p0 =	seq.s32 s7, s2  }
0x1e: {  	s7 =	smul.u32 @!p0 $0xF7A, s2;
	p2 =	seq.s32 @!p0 s5, $0x0  }
0x1f: {  	s9 =	smul.u32 $0xF7A, s1;
	s8 =	simm.s32 @!p0 $0x1BF5;
	p2 =	por !p2, p0  }
0x20: {  	[sflag:s8] =	ssyncset.s32 @!p0 $0xFFFFF086;
	s6 =	sadd.s32 @!p0 s3, s7;
	s7 =	simm.s32 @!p0 $0x108  }
0x21: {  	s3 =	sadd.s32 s3, s9;
	s6 =	sadd.s32 @!p0 $0x88, s6;
	s7 =	simm.s32 @p2 $0x1082  }
0x22: {  	[simem:s7], [sflag:s8] =	dma.local @!p0 [hbm:s6], $0xF7A  }
0x23: {  	s9 =	sor.u32 $0xD0000000, s2;
	s6 =	simm.s32 $0x108;
	_ =	swait.ge @!p0 [sflag:s8], $0x0  }
0x24: {  	s3 =	sadd.s32 $0x88, s3;
	s6 =	simm.s32 @!p1 $0x1082;
	[sflag:s4] =	ssyncset.s32 $0xFFFFF086  }
0x25: {  	[simem:s6], [sflag:s4] =	dma.local [hbm:s3], $0xF7A  }
0x26: {  	[smem:$0x3F9F] =	sst s1;
	(tag) =	ssettag s2;
	_ =	strace s9  }
0x27: {  	s1 =	sld [smem:$0x3FAF]  }
0x28: {  	s2 =	sld [smem:$0x3FB0]  }
0x29: {  	s4 =	sld [smem:$0x3FB2]  }
0x2a: {  	p0 =	seq.s32 s5, $0x0;
	s5 =	sld [smem:$0x3FB3]  }
0x2b: {  	s6 =	sld [smem:$0x3FB4]  }
0x2c: {  	s7 =	sld [smem:$0x3FB5]  }
0x2d: {  	s3 =	simm.s32 $0x108;
	s8 =	sld [smem:$0x3FB6]  }
0x2e: {  	s3 =	simm.s32 @!p0 $0x1082;
	s9 =	sld [smem:$0x3FB7]  }
0x2f: {  	lr =	sadd.s32 s0, s3;
	s0 =	sld [smem:$0x3FAE]  }
0x30: {  	s3 =	sld [smem:$0x3FB1]  }
0x31: {  	[smem:$0x3FBA] =	sst s10  }
0x32: {  	s10 =	sld [smem:$0x3FB8];
	_ =	sdelay $0x3  }
0x33: {  	p0 =	seq.s32 s10, $0x1;
	s10 =	sld [smem:$0x3FBA];
	_ =	sdelay $0x3  }
0x34: {  	[smem:$0x3FBA] =	sst s10  }
0x35: {  	s10 =	sld [smem:$0x3FB9];
	_ =	sdelay $0x3  }
0x36: {  	p1 =	seq.s32 s10, $0x1;
	s10 =	sld [smem:$0x3FBA];
	_ =	sdelay $0x3  }
0x37: {  	[smem:$0x3FBA] =	sst s10  }
0x38: {  	s10 =	sld [smem:$0x3FBB]  }
0x39: {  	_ = 	snop;
	(pc) =	sbr.ind lr, $3  }
0x3a: {  	_ = 	snop  }
0x3b: {  	_ = 	snop  }
0x3c: {  	p2 =	seq.s32 s10, $0x1;
	s10 =	sld [smem:$0x3FBA]  }
0x3d: {  	_ =	shalt  }
0x3e: {  	_ =	shalt  }
0x3f: {  	_ =	shalt  }
0x40: {  	_ =	shalt  }
0x41: {  	_ =	shalt  }
0x42: {  	_ =	shalt  }
0x43: {  	_ =	shalt  }
0x44: {  	_ =	shalt  }
0x45: {  	_ =	shalt  }
0x46: {  	_ =	shalt  }
0x47: {  	_ =	shalt  }
0x48: {  	_ =	shalt  }
0x49: {  	_ =	shalt  }
0x4a: {  	_ =	shalt  }
0x4b: {  	_ =	shalt  }
0x4c: {  	_ =	shalt  }
0x4d: {  	_ =	shalt  }
0x4e: {  	_ =	shalt  }
0x4f: {  	_ =	shalt  }
0x50: {  	_ =	shalt  }
0x51: {  	_ =	shalt  }
0x52: {  	_ =	shalt  }
0x53: {  	_ =	shalt  }
0x54: {  	_ =	shalt  }
0x55: {  	_ =	shalt  }
0x56: {  	_ =	shalt  }
0x57: {  	_ =	shalt  }
0x58: {  	_ =	shalt  }
0x59: {  	_ =	shalt  }
0x5a: {  	_ =	shalt  }
0x5b: {  	_ =	shalt  }
0x5c: {  	_ =	shalt  }
0x5d: {  	_ =	shalt  }
0x5e: {  	_ =	shalt  }
0x5f: {  	_ =	shalt  }
0x60: {  	_ =	shalt  }
0x61: {  	_ =	shalt  }
0x62: {  	_ =	shalt  }
0x63: {  	_ =	shalt  }
0x64: {  	_ =	shalt  }
0x65: {  	_ =	shalt  }
0x66: {  	_ =	shalt  }
0x67: {  	_ =	shalt  }
0x68: {  	_ =	shalt  }
0x69: {  	_ =	shalt  }
0x6a: {  	_ =	shalt  }
0x6b: {  	_ =	shalt  }
0x6c: {  	_ =	shalt  }
0x6d: {  	_ =	shalt  }
0x6e: {  	_ =	shalt  }
0x6f: {  	_ =	shalt  }
0x70: {  	_ =	shalt  }
0x71: {  	_ =	shalt  }
0x72: {  	_ =	shalt  }
0x73: {  	_ =	shalt  }
0x74: {  	_ =	shalt  }
0x75: {  	_ =	shalt  }
0x76: {  	_ =	shalt  }
0x77: {  	_ =	shalt  }
0x78: {  	_ =	shalt  }
0x79: {  	_ =	shalt  }
0x7a: {  	_ =	shalt  }
0x7b: {  	_ =	shalt  }
0x7c: {  	_ =	shalt  }
0x7d: {  	_ =	shalt  }
0x7e: {  	_ =	shalt  }
0x7f: {  	_ =	shalt  }
0x80: {  	_ =	shalt  }
0x81: {  	_ =	shalt  }
0x82: {  	_ =	shalt  }
0x83: {  	_ =	shalt  }
0x84: {  	_ =	shalt  }
0x85: {  	_ =	shalt  }
0x86: {  	_ =	shalt  }
0x87: {  	_ =	shalt  }
.Lfunc_end0:
.L_simem_size_0:
called_computation.1_lowered:
.L_overlay_start_0:
0x88: {  	s2 =	sld [smem:$0x3FD9]  }
0x89: {  	s3 =	sld [smem:$0x3FFE];
	_ =	sdelay $0x1  }
0x8a: {  	s1 =	srdreg.scid  }
0x8b: {  	s0 =	sand.u32 $0x1, s1  }
0x8c: {  	s17 =	sshll.u32 s0, $0xA;
	s2 =	sadd.s32 s3, s2  }
0x8d: {  	s2 =	sadd.s32 s2, s17  }
0x8e: {  	[smem:$0x3FC6] =	sst s2  }
0x8f: {  	_ = 	snop  }
0x90: {  	s18 =	sld [smem:$0x3FD0];
	(tm) =	ssettm $0x1  }
0x91: {  	s19 =	sld [smem:$0x3FFB];
	_ =	sdelay $0x3  }
0x92: {  	_ =	strace s19  }
0x93: {  	s2 =	sld [smem:$0x3FFC];
	_ =	sdelay $0x3  }
0x94: {  	_ =	strace s2  }
0x95: {  	s2 =	sld [smem:$0x3FFD];
	_ =	sdelay $0x3  }
0x96: {  	_ =	strace s2  }
0x97: {  	_ =	strace $0x8FFFFFFF  }
0x98: {  	s20 =	sld [smem:$0x3FDB];
	_ =	sdelay $0x1  }
0x99: {  	s4 =	simm.s32 $_scs_section_size  }
0x9a: {  	s5 =	simm.s32 $_size__tile_overlayer_lowered;
	s6 =	simm.s32 $_tile_overlayer_lowered  }
0x9b: {  	s7 =	simm.s32 $0x1BFF;
	s21 =	sshll.u32 s6, $0x1;
	s4 =	sadd.s32 s4, s20  }
0x9c: {  	s22 =	simm.s32 $0x0;
	s5 =	sshll.u32 s5, $0x1;
	s6 =	sadd.s32 s21, s4  }
0x9d: {  	[timem:s22], [sflag:s7] =	dma.local [hbm:s6], s5  }
0x9e: {  	_ =	swait.ge [sflag:s7], s5  }
0x9f: {  	s5 =	ssub.s32 $0x0, s5;
	[sflag:s7] =	ssyncset.done $0x0  }
0xa0: {  	[sflag:s7] =	ssyncadd.s32 s5;
	_ =	sdelay $0x1  }
0xa1: {  	s23 =	simm.s32 $0x1B8B  }
0xa2: {  	_ =	swait.ge [sflag:s23], $0x1  }
0xa3: {  	[sflag:s23] =	ssyncset.done $0x0  }
0xa4: {  	[sflag:s23] =	ssyncadd.s32 $0xFFFFFFFF  }
0xa5: {  	s5 =	sld [smem:$0x0]  }
0xa6: {  	s6 =	sand.u32 $0xFFFFFFFE, s1  }
0xa7: {  	p0 =	sne.s32 s1, s6  }
0xa8: {  	s6 =	sshll.u32 @p0 s6, $0xE  }
0xa9: {  	s6 =	sadd.s32 @p0 $0x11B8D, s6;
	s7 =	sshll.u32 @p0 s5, $0x11  }
0xaa: {  	s6 =	sor.u32 @p0 s7, s6  }
0xab: {  	[sflag:s6] =	ssyncadd.remote.s32 @p0 $0x1;
	_ =	sdelay $0x1  }
0xac: {  	s6 =	simm.s32 @p0 $0x1B8D  }
0xad: {  	_ =	swait.eq @p0 [sflag:s6], $0x1  }
0xae: {  	[sflag:s6] =	ssyncadd.s32 @p0 $0xFFFFFFFF  }
0xaf: {  	s7 =	sshll.u32 @!p0 s1, $0xE  }
0xb0: {  	s7 =	sor.u32 @!p0 $0x4000, s7;
	s6 =	simm.s32 @!p0 $0x1B8D  }
0xb1: {  	s5 =	sshll.u32 @!p0 s5, $0x11;
	s7 =	sadd.s32 @!p0 $0x11B8D, s7;
	_ =	swait.eq @!p0 [sflag:s6], $0x1  }
0xb2: {  	s5 =	sor.u32 @!p0 s5, s7;
	[sflag:s6] =	ssyncadd.s32 @!p0 $0xFFFFFFFF  }
0xb3: {  	s25 =	simm.s32 $0x1B8E;
	s24 =	sld [smem:$0x3FFE];
	[sflag:s5] =	ssyncadd.remote.s32 @!p0 $0x1  }
0xb4: {  	s26 =	simm.s32 $execute0_lowered;
	[smem:$0x3FD2] =	sst s25  }
0xb5: {  	s6 =	sshll.u32 s26, $0x1;
	_ =	strace $0x80000049;
	[dreg:$0x1] =	wrdreg $0xFFFFFFFF  }
0xb6: {  	s28 =	simm.s32 $_size_execute0_lowered;
	s4 =	sadd.s32 s4, s6;
	[dreg:$0x0] =	wrdreg $0x0  }
0xb7: {  	s6 =	sshll.u32 s28, $0x1;
	[dreg:$0x2] =	wrdreg s4  }
0xb8: {  	[dreg:$0x3] =	wrdreg s6  }
0xb9: {  	[dreg:$0x4] =	wrdreg $0xC0  }
0xba: {  	_ =	task [dreg:s22], $0x5FFFF  }
0xbb: {  	[dreg:$0x1] =	wrdreg $0xFFFFFFFF  }
0xbc: {  	[dreg:$0x0] =	wrdreg $0x60  }
0xbd: {  	[dreg:$0x2] =	wrdreg s24  }
0xbe: {  	[dreg:$0x3] =	wrdreg s18  }
0xbf: {  	[dreg:$0x4] =	wrdreg $0x9E000  }
0xc0: {  	[dreg:$0x5] =	wrdreg $0xA  }
0xc1: {  	_ =	task.clear_ibuf [dreg:s22], $0x6FFFF;
	_ =	strace $0x90000049  }
0xc2: {  	s29 =	simm.s32 $0xA;
	_ =	strace $0x8000004B  }
0xc3: {  	_ =	swait.ge [sflag:s29], $0x1  }
0xc4: {  	[sflag:s29] =	ssyncadd.s32 $0xFFFFFFFF  }
0xc5: {  	_ =	strace $0x9000004B  }
0xc6: {  	_ =	sfence  }
0xc7: {  	s30 =	sld [smem:$0x0];
	_ =	sdelay $0x2  }
0xc8: {  	s31 =	sshll.u32 s1, $0xD;
	s1 =	sshrl.u32 s1, $0x2  }
0xc9: {  	s4 =	sand.u32 $0x4000, s31;
	s1 =	sadd.s32 s1, s30  }
0xca: {  	s0 =	sor.u32 s4, s0;
	s1 =	sshll.u32 s1, $0x11  }
0xcb: {  	s0 =	sor.u32 s1, s0  }
0xcc: {  	s0 =	sadd.s32 $0x8F2B, s0  }
0xcd: {  	[sflag:s0] =	ssyncadd.remote.s32 $0x1  }
0xce: {  	_ =	sfence.sel $0xFFFF  }
0xcf: {  	[dreg:$0x0] =	wrdreg $0xFFFFFFFF;
	(pc) =	sbr.abs _section_cstart, $3  }
0xd0: {  	[dreg:$0x1] =	wrdreg $0xFFFFFFFF  }
0xd1: {  	_ =	task.clear_ibuf [dreg:s22], $0x2FFFF;
	_ =	strace $0x9FFFFFFF  }
0xd2: {  	(tm) =	ssettm $0x7FFFFFFF  }
0xd3: {  	_ =	shalt  }
tec
execute0_lowered:
.L_overlay_start_1:
0x0: {  	(tag) =	ssettag $0x1  }
0x1: {  	s4 =	rddreg [dreg:$0x0]  }
0x2: {  	s5 =	rddreg [dreg:$0x1]  }
0x3: {  	s1 =	rddreg [dreg:$0x2]  }
0x4: {  	s0 =	rddreg [dreg:$0x3];
	s2 =	simm.s32 $0x0;
	s3 =	srdreg.scid  }
0x5: {  	s14 =	simm.s32 $0x78;
	s15 =	simm.s32 $0x80;
	s16 =	simm.s32 $0x3E00  }
0x6: {  	s17 =	simm.s32 $0x1;
	s18 =	simm.s32 $0x100;
	s19 =	simm.s32 $0x180  }
0x7: {  	s20 =	simm.s32 $0x0;
	[smem:$0x7FF] =	sst s2;
	s7 =	sand.u32 $0x1, s3  }
0x8: {  	s8 =	sadd.s32 $0x4C600, s4;
	s3 =	stileid.u32;
	_ =	strace $0x8000004A  }
0x9: {  	s6 =	sshll.u32 s7, $0x4;
	s9 =	sshll.u32 s3, $0xA;
	s10 =	smul.u32 $0x9000, s3  }
0xa: {  	s28 =	ssub.s32 $0x2, s7;
	s30 =	sshll.u32 s3, $0xD;
	s6 =	sor.u32 s3, s6  }
0xb: {  	s31 =	sshll.u32 s7, $0xE;
	s9 =	sadd.s32 s9, s4;
	s11 =	smul.u32 $0x1E00, s6  }
0xc: {  	s12 =	sshrl.u32 s28, $0x1;
	s10 =	sshrl.u32 s10, $0x2;
	s13 =	smul.u32 $0xF000, s6  }
0xd: {  	s12 =	ssub.s32 s28, s12;
	s6 =	sshll.u32 s6, $0x6;
	s9 =	sadd.s32 s31, s9  }
0xe: {  	s4 =	sadd.s32 s10, s1;
	s5 =	sadd.s32 s5, s6;
	s9 =	sadd.s32 $0x88600, s9  }
0xf: {  	s10 =	smax.u32 s12, $0x1;
	s12 =	simm.s32 $0x2;
	s29 =	sshrl.u32 s13, $0x3  }
0x10: {  	s6 =	sadd.s32 s8, s11;
	s11 =	simm.s32 $0x7A00;
	s8 =	sadd.s32 s8, s29  }
0x11: {  	v0 =	vimm.f32 $0.0e+00;
	s13 =	simm.s32 $0x200;
	s7 =	sadd.s32 $0xF00, s8;
	s8 =	sadd.s32 s30, s1  }
.LBB2_1:
0x12: {  	s21 =	simm.s32 $0x0;
	s22 =	simm.s32 $0x200  }
.LBB2_2:
0x13: {  	p0 =	sne.s32 s22, $0x8E00;
	[tilespmem:s21+$0x7A70] =	vst v0  }
0x14: {  	[tilespmem:s21+$0x7A00] =	vst v0  }
0x15: {  	[tilespmem:s21+$0x7A10] =	vst v0  }
.Ltmp0:
0x16: {  	[tilespmem:s21+$0x7A20] =	vst v0;
	(pc) =	sbr.rel @p0 .LBB2_2-.Ltmp0, $4  }
0x17: {  	[tilespmem:s21+$0x7A30] =	vst v0  }
0x18: {  	[tilespmem:s21+$0x7A40] =	vst v0  }
0x19: {  	[tilespmem:s21+$0x7A50] =	vst v0  }
0x1a: {  	[tilespmem:s21+$0x7A60] =	vst v0;
	s21 =	sshra.s32 s22, $0x2;
	s22 =	sadd.s32 $0x200, s22  }
0x1b: {  	[tilespmem:s21+$0x7A70] =	vst v0  }
0x1c: {  	[tilespmem:s21+$0x7A00] =	vst v0  }
0x1d: {  	[tilespmem:s21+$0x7A10] =	vst v0  }
0x1e: {  	[tilespmem:s21+$0x7A20] =	vst v0  }
0x1f: {  	[tilespmem:s21+$0x7A30] =	vst v0  }
0x20: {  	[tilespmem:s21+$0x7A40] =	vst v0  }
0x21: {  	[tilespmem:s21+$0x7A50] =	vst v0  }
0x22: {  	[tilespmem:s21+$0x7A60] =	vst v0  }
0x23: {  	[spmem:s4] =	stream.linear.scatter [tilespmem:s11], [sflag:$0x2], $0x2400, $0x38;
	[tilespmem:$0xC200] =	vst v63  }
0x24: {  	_ =	swait.ge [sflag:s12], $0x2400  }
0x25: {  	[sflag:s12] =	ssyncset.done $0x0  }
0x26: {  	[sflag:s12] =	ssyncadd.s32 $0xFFFFDC00  }
0x27: {  	[tilespmem:s2], [sflag:$0x2] =	stream.linear.gather [hbm4b:s5+s2], $0x200, $0x38;
	[tilespmem:$0xC200] =	vst v63  }
0x28: {  	_ =	swait.ge [sflag:s12], $0x200  }
0x29: {  	[sflag:s12] =	ssyncset.done $0x0  }
0x2a: {  	[sflag:s12] =	ssyncadd.s32 $0xFFFFFE00  }
0x2b: {  	[bflag:$0x0] =	sbarrier.arrive $0xFFFF  }
0x2c: {  	[tilespmem:s13], [sflag:$0x2] =	stream.linear.gather [hbm4b:s6+s2], $0x7800, $0x38;
	[tilespmem:$0xC200] =	vst v63  }
0x2d: {  	_ =	swait.ge [sflag:s12], $0x7800  }
0x2e: {  	[sflag:s12] =	ssyncset.done $0x0  }
0x2f: {  	[sflag:s12] =	ssyncadd.s32 $0xFFFF8800  }
0x30: {  	[spmem:s1] =	stream.indirect.scatter.add.f32 [tilespmem:s13], [sflag:$0x1], $0x80, s2, s14, $0xb8;
	[tilespmem:$0xC200] =	vst v63  }
0x31: {  	_ = 	snop  }
0x32: {  	[spmem:s1] =	stream.indirect.scatter.add.f32 [tilespmem:s16], [sflag:$0x1], $0x80, s15, s14, $0xb8;
	[tilespmem:$0xC200] =	vst v63  }
0x33: {  	_ =	swait.ge [sflag:s17], $0x3C00  }
0x34: {  	[sflag:s17] =	ssyncset.done $0x0  }
0x35: {  	[sflag:s17] =	ssyncadd.s32 $0xFFFFC400  }
0x36: {  	_ =	swait.ge [sflag:s17], $0x3C00  }
0x37: {  	[sflag:s17] =	ssyncset.done $0x0  }
0x38: {  	[sflag:s17] =	ssyncadd.s32 $0xFFFFC400  }
0x39: {  	[tilespmem:s13], [sflag:$0x2] =	stream.linear.gather [hbm4b:s7+s2], $0x7800, $0x38;
	[tilespmem:$0xC200] =	vst v63  }
0x3a: {  	_ =	swait.ge [sflag:s12], $0x7800  }
0x3b: {  	[sflag:s12] =	ssyncset.done $0x0  }
0x3c: {  	[sflag:s12] =	ssyncadd.s32 $0xFFFF8800  }
0x3d: {  	[spmem:s1] =	stream.indirect.scatter.add.f32 [tilespmem:s13], [sflag:$0x1], $0x80, s18, s14, $0xb8;
	[tilespmem:$0xC200] =	vst v63  }
0x3e: {  	_ = 	snop  }
0x3f: {  	[spmem:s1] =	stream.indirect.scatter.add.f32 [tilespmem:s16], [sflag:$0x1], $0x80, s19, s14, $0xb8;
	[tilespmem:$0xC200] =	vst v63  }
0x40: {  	_ =	swait.ge [sflag:s17], $0x3C00  }
0x41: {  	[sflag:s17] =	ssyncset.done $0x0  }
0x42: {  	[sflag:s17] =	ssyncadd.s32 $0xFFFFC400  }
0x43: {  	_ =	swait.ge [sflag:s17], $0x3C00  }
0x44: {  	[sflag:s17] =	ssyncset.done $0x0  }
0x45: {  	[sflag:s17] =	ssyncadd.s32 $0xFFFFC400  }
0x46: {  	[bflag:$0x0] =	sbarrier.arrive $0xFFFF  }
0x47: {  	[tilespmem:s11], [sflag:$0x2] =	stream.linear.gather [spmem:s8], $0x2000, $0x38;
	[tilespmem:$0xC200] =	vst v63  }
0x48: {  	s20 =	sadd.s32 $0x1, s20;
	_ =	swait.ge [sflag:s12], $0x2000  }
0x49: {  	p0 =	sne.s32 s20, s10;
	[sflag:s12] =	ssyncset.done $0x0  }
.Ltmp1:
0x4a: {  	[sflag:s12] =	ssyncadd.s32 $0xFFFFE000;
	(pc) =	sbr.rel @p0 .LBB2_1-.Ltmp1, $4  }
0x4b: {  	[hbm4b:s9+s2] =	stream.linear.scatter [tilespmem:s11], [sflag:$0x2], $0x2000, $0x38;
	[tilespmem:$0xC200] =	vst v63  }
0x4c: {  	_ =	swait.ge [sflag:s12], $0x2000  }
0x4d: {  	[sflag:s12] =	ssyncset.done $0x0  }
0x4e: {  	[sflag:s12] =	ssyncadd.s32 $0xFFFFE000  }
0x4f: {  	_ =	sfence.sel $0x180000  }
0x50: {  	[bflag:$0x0] =	sbarrier.arrive $0xFFFF  }
0x51: {  	p0 =	sne.s32 s3, $0x0;
	_ =	strace $0x9000004A  }
0x52: {  	s0 =	sadd.s32 @!p0 $0x100000, s0;
	[bflag:$0x2] =	sbarrier.arrive $0xFFFF  }
0x53: {  	[sflag:s0] =	ssyncadd.tile.s32 @!p0 $0x1;
	_ =	shalt  }
.Lfunc_end2:
_tile_overlayer_lowered:
.L_overlay_start_2:
0x54: {  	(tag) =	ssettag $0x2  }
0x55: {  	s0 =	rddreg [dreg:$0x0];
	s2 =	stileid.u32  }
0x56: {  	s1 =	rddreg [dreg:$0x1];
	p0 =	sne.s32 s2, $0x0  }
0x57: {  	s3 =	rddreg [dreg:$0x2];
	[bflag:$0x3] =	sbarrier.arrive $0xFFFF;
	s2 =	simm.s32 @!p0 $0x1C02  }
0x58: {  	[timem:s3], [sflag:s2] =	dma.local @!p0 [hbm:s0], s1  }
0x59: {  	s0 =	simm.s32 @!p0 $0x2  }
0x5a: {  	_ =	swait.ge @!p0 [sflag:s0], s1  }
0x5b: {  	s1 =	ssub.s32 @!p0 $0x0, s1;
	[sflag:s0] =	ssyncset.done @!p0 $0x0  }
0x5c: {  	[sflag:s0] =	ssyncadd.s32 @!p0 s1  }
0x5d: {  	[bflag:$0x3] =	sbarrier.arrive $0xFFFF  }
0x5e: {  	_ =	shalt  }

</sc_bundles>
